<compile_context>
chip_gen: v7x
topology: tpu7x:2x2x1
jax: 0.10.2.dev20260603
libtpu: 0.0.44.dev20260713+nightly
codegen_flags: <defaults>
</compile_context>

<pallas_src>
import jax
import jax.numpy as jnp
from jax import lax
from jax.experimental import pallas as pl
from jax.experimental.pallas import tpu as pltpu
from jax.experimental.pallas import tpu_sc as plsc

_B = 4
_S = 4096
_D = 4096
_NW = 32
_S_PER_W = _S // _NW
_CHUNK = 4
_N_CHUNKS = _S_PER_W // _CHUNK
_SCALE = 64.0
_LANES = 16


def _sc_body(ids_hbm, table_hbm, pos_hbm, out_hbm,
             idx_v, rows0, rows1, outb0, outb1, pos0, pos1,
             gsem0, gsem1, ssem0, ssem1, psem0, psem1):
    wid = lax.axis_index("s") * 2 + lax.axis_index("c")
    s0 = wid * _S_PER_W

    rows = (rows0, rows1)
    outb = (outb0, outb1)
    posb = (pos0, pos1)
    gsem = (gsem0, gsem1)
    ssem = (ssem0, ssem1)
    psem = (psem0, psem1)

    for b in range(_B):
        pltpu.sync_copy(ids_hbm.at[b, pl.ds(s0, _S_PER_W)], idx_v.at[b])

    def gather(c, b, p):
        return pltpu.make_async_copy(
            table_hbm.at[idx_v.at[b, pl.ds(c * _CHUNK, _CHUNK)]],
            rows[p],
            gsem[p],
        )

    def store(c, b, p):
        return pltpu.make_async_copy(
            outb[p],
            out_hbm.at[b, pl.ds(s0 + c * _CHUNK, _CHUNK), :],
            ssem[p],
        )

    def pos_load(c, dc):
        return pltpu.make_async_copy(
            pos_hbm.at[pl.ds(s0 + c * _CHUNK, _CHUNK), :],
            posb[dc],
            psem[dc],
        )

    pos_load(0, 0).start()
    pos_load(1, 1).start()
    gather(0, 0, 0).start()
    gather(0, 1, 1).start()

    def pair_body(i, carry):
        for dc in range(2):
            c = 2 * i + dc
            for b in range(_B):
                p = b % 2
                gather(c, b, p).wait()
                if b == 0:
                    pos_load(c, dc).wait()
                if b < 2:
                    @pl.when(c > 0)
                    def _():
                        store(c, b, p).wait()
                else:
                    store(c, b, p).wait()

                src = rows[p]
                dst = outb[p]
                pv = posb[dc]

                def fma(j, acc):
                    off = j * _LANES
                    for r in range(_CHUNK):
                        dst[r, pl.ds(off, _LANES)] = (
                            src[r, pl.ds(off, _LANES)] * _SCALE
                            + pv[r, pl.ds(off, _LANES)]
                        )
                    return acc

                lax.fori_loop(0, _D // _LANES, fma, 0)

                store(c, b, p).start()

                if b < 2:
                    gather(c, b + 2, p).start()
                else:
                    cn = jnp.minimum(c + 1, _N_CHUNKS - 1)
                    gather(cn, b - 2, p).start()
                if b == _B - 1:
                    cn2 = jnp.minimum(c + 2, _N_CHUNKS - 1)
                    pos_load(cn2, dc).start()
        return carry

    lax.fori_loop(0, _N_CHUNKS // 2, pair_body, 0)

    gather(_N_CHUNKS - 1, 0, 0).wait()
    gather(_N_CHUNKS - 1, 1, 1).wait()
    store(_N_CHUNKS - 1, 2, 0).wait()
    store(_N_CHUNKS - 1, 3, 1).wait()
    pos_load(_N_CHUNKS - 1, 0).wait()
    pos_load(_N_CHUNKS - 1, 1).wait()


@jax.jit
def _embed(token_ids, token_table, pos_table):
    mesh = plsc.VectorSubcoreMesh(core_axis_name="c", subcore_axis_name="s")
    return pl.kernel(
        _sc_body,
        out_type=jax.ShapeDtypeStruct((_B, _S, _D), jnp.float32),
        mesh=mesh,
        scratch_types=[
            pltpu.VMEM((_B, _S_PER_W), jnp.int32),
            pltpu.VMEM((_CHUNK, _D), jnp.float32),
            pltpu.VMEM((_CHUNK, _D), jnp.float32),
            pltpu.VMEM((_CHUNK, _D), jnp.float32),
            pltpu.VMEM((_CHUNK, _D), jnp.float32),
            pltpu.VMEM((_CHUNK, _D), jnp.float32),
            pltpu.VMEM((_CHUNK, _D), jnp.float32),
            pltpu.SemaphoreType.DMA,
            pltpu.SemaphoreType.DMA,
            pltpu.SemaphoreType.DMA,
            pltpu.SemaphoreType.DMA,
            pltpu.SemaphoreType.DMA,
            pltpu.SemaphoreType.DMA,
        ],
    )(token_ids, token_table, pos_table)


def kernel(token_ids, token_table, pos_table):
    return _embed(token_ids.astype(jnp.int32), token_table, pos_table)

# --- scband reference (transcript-rebuilt; emitter-appended) ---
"""Pipeline reference for scband-input-embedding-35029753266899 (READ-ONLY COPY).

The authoritative reference and input builder live on the scoring server;
editing this copy changes nothing except your own understanding.
"""

import jax, jax.numpy as jnp
import numpy as np
import math

VOCAB = 100000
EMBED_DIM = 4096
MAX_SEQ_LEN = 8192
B = 4
S = 4096


def setup_inputs(seed: int = 0) -> dict:
    key = jax.random.key(seed)
    k_ids, k_tok, k_pos = jax.random.split(key, 3)
    token_ids = jax.random.randint(k_ids, (B, S), 0, VOCAB, dtype=jnp.int64 if jax.config.read('jax_enable_x64') else jnp.int32)
    token_table = jax.random.normal(k_tok, (VOCAB, EMBED_DIM), dtype=jnp.float32)
    pos_table = jax.random.normal(k_pos, (MAX_SEQ_LEN, EMBED_DIM), dtype=jnp.float32)
    return {"token_ids": token_ids, "token_table": token_table, "pos_table": pos_table}


def reference(token_ids, token_table, pos_table):
    # TokenEmbedding: gather rows from token_table
    x = jnp.take(token_table, token_ids, axis=0)  # [B, S, D]
    # scale by sqrt(embed_dim)
    x = x * math.sqrt(token_table.shape[1])
    # LearnedPositionalEmbedding: positions = arange(seq_len), gather, broadcast-add
    seq_len = token_ids.shape[1]
    positions = jnp.arange(seq_len)
    pos_emb = jnp.take(pos_table, positions, axis=0)  # [S, D]
    x = x + pos_emb[None, :, :]
    # Dropout is identity in eval/inference mode
    return x

if __name__ == "__main__":
    import jax
    _d = setup_inputs()
    print(jax.jit(kernel)(*tuple(_d.values())))

</pallas_src>

<mosaic_0001>
#map = affine_map<(d0, d1) -> (0, 0)>
#map1 = affine_map<(d0, d1) -> (0, 0, 0)>
module attributes {stable_mosaic.version = 14 : i64} {
  func.func @_sc_body(%arg0: i32, %arg1: i32, %arg2: memref<4x4096xi32, #tpu.memory_space<hbm>>, %arg3: memref<100000x4096xf32, #tpu.memory_space<hbm>>, %arg4: memref<8192x4096xf32, #tpu.memory_space<hbm>>, %arg5: memref<4x4096x4096xf32, #tpu.memory_space<hbm>>, %arg6: memref<4x128xi32, #tpu.memory_space<vmem>>, %arg7: memref<4x4096xf32, #tpu.memory_space<vmem>>, %arg8: memref<4x4096xf32, #tpu.memory_space<vmem>>, %arg9: memref<4x4096xf32, #tpu.memory_space<vmem>>, %arg10: memref<4x4096xf32, #tpu.memory_space<vmem>>, %arg11: memref<4x4096xf32, #tpu.memory_space<vmem>>, %arg12: memref<4x4096xf32, #tpu.memory_space<vmem>>, %arg13: memref<!tpu.dma_semaphore, #tpu.memory_space<semaphore_mem>>, %arg14: memref<!tpu.dma_semaphore, #tpu.memory_space<semaphore_mem>>, %arg15: memref<!tpu.dma_semaphore, #tpu.memory_space<semaphore_mem>>, %arg16: memref<!tpu.dma_semaphore, #tpu.memory_space<semaphore_mem>>, %arg17: memref<!tpu.dma_semaphore, #tpu.memory_space<semaphore_mem>>, %arg18: memref<!tpu.dma_semaphore, #tpu.memory_space<semaphore_mem>>) attributes {dimension_semantics = [#tpu.dimension_semantics<core_parallel>, #tpu.dimension_semantics<subcore_parallel>], iteration_bounds = array<i64: 2, 16>, scalar_prefetch = 0 : i64, scratch_operands = 13 : i64, tpu.core_type = #tpu.core_type<sc_vector_subcore>, window_params = [{transform_indices = #map}, {transform_indices = #map}, {transform_indices = #map}, {transform_indices = #map1}]} {
    %mul3A = arith.constant 2 : i32
    %mul3A_0 = arith.muli %arg1, %mul3A : i32
    %add3A = arith.addi %mul3A_0, %arg0 : i32
    %mul3A_1 = arith.constant 128 : i32
    %mul3A_2 = arith.muli %add3A, %mul3A_1 : i32
    %run_scoped3A = arith.constant 0 : i32
    %run_scoped3A_3 = arith.constant 0 : i32
    "tpu.region"() ({
      %run_scoped3A_83 = tpu.sem_alloc : memref<!tpu.dma_semaphore, #tpu.memory_space<semaphore_mem>>
      %dma_start3A_84 = arith.constant 0 : i32
      %dma_start3A_85 = tpu.memref_slice %arg6[%run_scoped3A_3, %dma_start3A_84] : memref<4x128xi32, #tpu.memory_space<vmem>> -> memref<1x128xi32, #tpu.memory_space<vmem>>
      %dma_start3A_86 = tpu.memref_squeeze %dma_start3A_85 : memref<1x128xi32, #tpu.memory_space<vmem>> -> memref<128xi32, #tpu.memory_space<vmem>>
      %dma_start3A_87 = tpu.memref_slice %arg2[%run_scoped3A, %mul3A_2] : memref<4x4096xi32, #tpu.memory_space<hbm>> -> memref<1x128xi32, #tpu.memory_space<hbm>>
      %dma_start3A_88 = tpu.memref_squeeze %dma_start3A_87 : memref<1x128xi32, #tpu.memory_space<hbm>> -> memref<128xi32, #tpu.memory_space<hbm>>
      %dma_start3A_89 = arith.constant 0 : i32
      %dma_start3A_90 = tpu.memref_slice %arg6[%run_scoped3A_3, %dma_start3A_89] : memref<4x128xi32, #tpu.memory_space<vmem>> -> memref<1x128xi32, #tpu.memory_space<vmem>>
      %dma_start3A_91 = tpu.memref_squeeze %dma_start3A_90 : memref<1x128xi32, #tpu.memory_space<vmem>> -> memref<128xi32, #tpu.memory_space<vmem>>
      %dma_start3A_92 = tpu.memref_slice %arg2[%run_scoped3A, %mul3A_2] : memref<4x4096xi32, #tpu.memory_space<hbm>> -> memref<1x128xi32, #tpu.memory_space<hbm>>
      %dma_start3A_93 = tpu.memref_squeeze %dma_start3A_92 : memref<1x128xi32, #tpu.memory_space<hbm>> -> memref<128xi32, #tpu.memory_space<hbm>>
      tpu.enqueue_dma source(%dma_start3A_93 : memref<128xi32, #tpu.memory_space<hbm>>) target(%dma_start3A_91 : memref<128xi32, #tpu.memory_space<vmem>>) target_semaphore(%run_scoped3A_83 : memref<!tpu.dma_semaphore, #tpu.memory_space<semaphore_mem>>)
      %dma_wait3A_94 = arith.constant 0 : i32
      %dma_wait3A_95 = tpu.memref_slice %arg6[%run_scoped3A_3, %dma_wait3A_94] : memref<4x128xi32, #tpu.memory_space<vmem>> -> memref<1x128xi32, #tpu.memory_space<vmem>>
      %dma_wait3A_96 = tpu.memref_squeeze %dma_wait3A_95 : memref<1x128xi32, #tpu.memory_space<vmem>> -> memref<128xi32, #tpu.memory_space<vmem>>
      %dma_wait3A_97 = tpu.memref_slice %arg2[%run_scoped3A, %mul3A_2] : memref<4x4096xi32, #tpu.memory_space<hbm>> -> memref<1x128xi32, #tpu.memory_space<hbm>>
      %dma_wait3A_98 = tpu.memref_squeeze %dma_wait3A_97 : memref<1x128xi32, #tpu.memory_space<hbm>> -> memref<128xi32, #tpu.memory_space<hbm>>
      %dma_wait3A_99 = arith.constant 0 : i32
      %dma_wait3A_100 = tpu.memref_slice %arg6[%run_scoped3A_3, %dma_wait3A_99] : memref<4x128xi32, #tpu.memory_space<vmem>> -> memref<1x128xi32, #tpu.memory_space<vmem>>
      %dma_wait3A_101 = tpu.memref_squeeze %dma_wait3A_100 : memref<1x128xi32, #tpu.memory_space<vmem>> -> memref<128xi32, #tpu.memory_space<vmem>>
      %dma_wait3A_102 = tpu.memref_slice %arg2[%run_scoped3A, %mul3A_2] : memref<4x4096xi32, #tpu.memory_space<hbm>> -> memref<1x128xi32, #tpu.memory_space<hbm>>
      %dma_wait3A_103 = tpu.memref_squeeze %dma_wait3A_102 : memref<1x128xi32, #tpu.memory_space<hbm>> -> memref<128xi32, #tpu.memory_space<hbm>>
      tpu.wait_dma2 semaphore(%run_scoped3A_83 : memref<!tpu.dma_semaphore, #tpu.memory_space<semaphore_mem>>) src(%dma_wait3A_103 : memref<128xi32, #tpu.memory_space<hbm>>) dst(%dma_wait3A_101 : memref<128xi32, #tpu.memory_space<vmem>>)
      tpu.yield
    }) : () -> ()
    %run_scoped3A_4 = arith.constant 1 : i32
    %run_scoped3A_5 = arith.constant 1 : i32
    "tpu.region"() ({
      %run_scoped3A_83 = tpu.sem_alloc : memref<!tpu.dma_semaphore, #tpu.memory_space<semaphore_mem>>
      %dma_start3A_84 = arith.constant 0 : i32
      %dma_start3A_85 = tpu.memref_slice %arg6[%run_scoped3A_5, %dma_start3A_84] : memref<4x128xi32, #tpu.memory_space<vmem>> -> memref<1x128xi32, #tpu.memory_space<vmem>>
      %dma_start3A_86 = tpu.memref_squeeze %dma_start3A_85 : memref<1x128xi32, #tpu.memory_space<vmem>> -> memref<128xi32, #tpu.memory_space<vmem>>
      %dma_start3A_87 = tpu.memref_slice %arg2[%run_scoped3A_4, %mul3A_2] : memref<4x4096xi32, #tpu.memory_space<hbm>> -> memref<1x128xi32, #tpu.memory_space<hbm>>
      %dma_start3A_88 = tpu.memref_squeeze %dma_start3A_87 : memref<1x128xi32, #tpu.memory_space<hbm>> -> memref<128xi32, #tpu.memory_space<hbm>>
      %dma_start3A_89 = arith.constant 0 : i32
      %dma_start3A_90 = tpu.memref_slice %arg6[%run_scoped3A_5, %dma_start3A_89] : memref<4x128xi32, #tpu.memory_space<vmem>> -> memref<1x128xi32, #tpu.memory_space<vmem>>
      %dma_start3A_91 = tpu.memref_squeeze %dma_start3A_90 : memref<1x128xi32, #tpu.memory_space<vmem>> -> memref<128xi32, #tpu.memory_space<vmem>>
      %dma_start3A_92 = tpu.memref_slice %arg2[%run_scoped3A_4, %mul3A_2] : memref<4x4096xi32, #tpu.memory_space<hbm>> -> memref<1x128xi32, #tpu.memory_space<hbm>>
      %dma_start3A_93 = tpu.memref_squeeze %dma_start3A_92 : memref<1x128xi32, #tpu.memory_space<hbm>> -> memref<128xi32, #tpu.memory_space<hbm>>
      tpu.enqueue_dma source(%dma_start3A_93 : memref<128xi32, #tpu.memory_space<hbm>>) target(%dma_start3A_91 : memref<128xi32, #tpu.memory_space<vmem>>) target_semaphore(%run_scoped3A_83 : memref<!tpu.dma_semaphore, #tpu.memory_space<semaphore_mem>>)
      %dma_wait3A_94 = arith.constant 0 : i32
      %dma_wait3A_95 = tpu.memref_slice %arg6[%run_scoped3A_5, %dma_wait3A_94] : memref<4x128xi32, #tpu.memory_space<vmem>> -> memref<1x128xi32, #tpu.memory_space<vmem>>
      %dma_wait3A_96 = tpu.memref_squeeze %dma_wait3A_95 : memref<1x128xi32, #tpu.memory_space<vmem>> -> memref<128xi32, #tpu.memory_space<vmem>>
      %dma_wait3A_97 = tpu.memref_slice %arg2[%run_scoped3A_4, %mul3A_2] : memref<4x4096xi32, #tpu.memory_space<hbm>> -> memref<1x128xi32, #tpu.memory_space<hbm>>
      %dma_wait3A_98 = tpu.memref_squeeze %dma_wait3A_97 : memref<1x128xi32, #tpu.memory_space<hbm>> -> memref<128xi32, #tpu.memory_space<hbm>>
      %dma_wait3A_99 = arith.constant 0 : i32
      %dma_wait3A_100 = tpu.memref_slice %arg6[%run_scoped3A_5, %dma_wait3A_99] : memref<4x128xi32, #tpu.memory_space<vmem>> -> memref<1x128xi32, #tpu.memory_space<vmem>>
      %dma_wait3A_101 = tpu.memref_squeeze %dma_wait3A_100 : memref<1x128xi32, #tpu.memory_space<vmem>> -> memref<128xi32, #tpu.memory_space<vmem>>
      %dma_wait3A_102 = tpu.memref_slice %arg2[%run_scoped3A_4, %mul3A_2] : memref<4x4096xi32, #tpu.memory_space<hbm>> -> memref<1x128xi32, #tpu.memory_space<hbm>>
      %dma_wait3A_103 = tpu.memref_squeeze %dma_wait3A_102 : memref<1x128xi32, #tpu.memory_space<hbm>> -> memref<128xi32, #tpu.memory_space<hbm>>
      tpu.wait_dma2 semaphore(%run_scoped3A_83 : memref<!tpu.dma_semaphore, #tpu.memory_space<semaphore_mem>>) src(%dma_wait3A_103 : memref<128xi32, #tpu.memory_space<hbm>>) dst(%dma_wait3A_101 : memref<128xi32, #tpu.memory_space<vmem>>)
      tpu.yield
    }) : () -> ()
    %run_scoped3A_6 = arith.constant 2 : i32
    %run_scoped3A_7 = arith.constant 2 : i32
    "tpu.region"() ({
      %run_scoped3A_83 = tpu.sem_alloc : memref<!tpu.dma_semaphore, #tpu.memory_space<semaphore_mem>>
      %dma_start3A_84 = arith.constant 0 : i32
      %dma_start3A_85 = tpu.memref_slice %arg6[%run_scoped3A_7, %dma_start3A_84] : memref<4x128xi32, #tpu.memory_space<vmem>> -> memref<1x128xi32, #tpu.memory_space<vmem>>
      %dma_start3A_86 = tpu.memref_squeeze %dma_start3A_85 : memref<1x128xi32, #tpu.memory_space<vmem>> -> memref<128xi32, #tpu.memory_space<vmem>>
      %dma_start3A_87 = tpu.memref_slice %arg2[%run_scoped3A_6, %mul3A_2] : memref<4x4096xi32, #tpu.memory_space<hbm>> -> memref<1x128xi32, #tpu.memory_space<hbm>>
      %dma_start3A_88 = tpu.memref_squeeze %dma_start3A_87 : memref<1x128xi32, #tpu.memory_space<hbm>> -> memref<128xi32, #tpu.memory_space<hbm>>
      %dma_start3A_89 = arith.constant 0 : i32
      %dma_start3A_90 = tpu.memref_slice %arg6[%run_scoped3A_7, %dma_start3A_89] : memref<4x128xi32, #tpu.memory_space<vmem>> -> memref<1x128xi32, #tpu.memory_space<vmem>>
      %dma_start3A_91 = tpu.memref_squeeze %dma_start3A_90 : memref<1x128xi32, #tpu.memory_space<vmem>> -> memref<128xi32, #tpu.memory_space<vmem>>
      %dma_start3A_92 = tpu.memref_slice %arg2[%run_scoped3A_6, %mul3A_2] : memref<4x4096xi32, #tpu.memory_space<hbm>> -> memref<1x128xi32, #tpu.memory_space<hbm>>
      %dma_start3A_93 = tpu.memref_squeeze %dma_start3A_92 : memref<1x128xi32, #tpu.memory_space<hbm>> -> memref<128xi32, #tpu.memory_space<hbm>>
      tpu.enqueue_dma source(%dma_start3A_93 : memref<128xi32, #tpu.memory_space<hbm>>) target(%dma_start3A_91 : memref<128xi32, #tpu.memory_space<vmem>>) target_semaphore(%run_scoped3A_83 : memref<!tpu.dma_semaphore, #tpu.memory_space<semaphore_mem>>)
      %dma_wait3A_94 = arith.constant 0 : i32
      %dma_wait3A_95 = tpu.memref_slice %arg6[%run_scoped3A_7, %dma_wait3A_94] : memref<4x128xi32, #tpu.memory_space<vmem>> -> memref<1x128xi32, #tpu.memory_space<vmem>>
      %dma_wait3A_96 = tpu.memref_squeeze %dma_wait3A_95 : memref<1x128xi32, #tpu.memory_space<vmem>> -> memref<128xi32, #tpu.memory_space<vmem>>
      %dma_wait3A_97 = tpu.memref_slice %arg2[%run_scoped3A_6, %mul3A_2] : memref<4x4096xi32, #tpu.memory_space<hbm>> -> memref<1x128xi32, #tpu.memory_space<hbm>>
      %dma_wait3A_98 = tpu.memref_squeeze %dma_wait3A_97 : memref<1x128xi32, #tpu.memory_space<hbm>> -> memref<128xi32, #tpu.memory_space<hbm>>
      %dma_wait3A_99 = arith.constant 0 : i32
      %dma_wait3A_100 = tpu.memref_slice %arg6[%run_scoped3A_7, %dma_wait3A_99] : memref<4x128xi32, #tpu.memory_space<vmem>> -> memref<1x128xi32, #tpu.memory_space<vmem>>
      %dma_wait3A_101 = tpu.memref_squeeze %dma_wait3A_100 : memref<1x128xi32, #tpu.memory_space<vmem>> -> memref<128xi32, #tpu.memory_space<vmem>>
      %dma_wait3A_102 = tpu.memref_slice %arg2[%run_scoped3A_6, %mul3A_2] : memref<4x4096xi32, #tpu.memory_space<hbm>> -> memref<1x128xi32, #tpu.memory_space<hbm>>
      %dma_wait3A_103 = tpu.memref_squeeze %dma_wait3A_102 : memref<1x128xi32, #tpu.memory_space<hbm>> -> memref<128xi32, #tpu.memory_space<hbm>>
      tpu.wait_dma2 semaphore(%run_scoped3A_83 : memref<!tpu.dma_semaphore, #tpu.memory_space<semaphore_mem>>) src(%dma_wait3A_103 : memref<128xi32, #tpu.memory_space<hbm>>) dst(%dma_wait3A_101 : memref<128xi32, #tpu.memory_space<vmem>>)
      tpu.yield
    }) : () -> ()
    %run_scoped3A_8 = arith.constant 3 : i32
    %run_scoped3A_9 = arith.constant 3 : i32
    "tpu.region"() ({
      %run_scoped3A_83 = tpu.sem_alloc : memref<!tpu.dma_semaphore, #tpu.memory_space<semaphore_mem>>
      %dma_start3A_84 = arith.constant 0 : i32
      %dma_start3A_85 = tpu.memref_slice %arg6[%run_scoped3A_9, %dma_start3A_84] : memref<4x128xi32, #tpu.memory_space<vmem>> -> memref<1x128xi32, #tpu.memory_space<vmem>>
      %dma_start3A_86 = tpu.memref_squeeze %dma_start3A_85 : memref<1x128xi32, #tpu.memory_space<vmem>> -> memref<128xi32, #tpu.memory_space<vmem>>
      %dma_start3A_87 = tpu.memref_slice %arg2[%run_scoped3A_8, %mul3A_2] : memref<4x4096xi32, #tpu.memory_space<hbm>> -> memref<1x128xi32, #tpu.memory_space<hbm>>
      %dma_start3A_88 = tpu.memref_squeeze %dma_start3A_87 : memref<1x128xi32, #tpu.memory_space<hbm>> -> memref<128xi32, #tpu.memory_space<hbm>>
      %dma_start3A_89 = arith.constant 0 : i32
      %dma_start3A_90 = tpu.memref_slice %arg6[%run_scoped3A_9, %dma_start3A_89] : memref<4x128xi32, #tpu.memory_space<vmem>> -> memref<1x128xi32, #tpu.memory_space<vmem>>
      %dma_start3A_91 = tpu.memref_squeeze %dma_start3A_90 : memref<1x128xi32, #tpu.memory_space<vmem>> -> memref<128xi32, #tpu.memory_space<vmem>>
      %dma_start3A_92 = tpu.memref_slice %arg2[%run_scoped3A_8, %mul3A_2] : memref<4x4096xi32, #tpu.memory_space<hbm>> -> memref<1x128xi32, #tpu.memory_space<hbm>>
      %dma_start3A_93 = tpu.memref_squeeze %dma_start3A_92 : memref<1x128xi32, #tpu.memory_space<hbm>> -> memref<128xi32, #tpu.memory_space<hbm>>
      tpu.enqueue_dma source(%dma_start3A_93 : memref<128xi32, #tpu.memory_space<hbm>>) target(%dma_start3A_91 : memref<128xi32, #tpu.memory_space<vmem>>) target_semaphore(%run_scoped3A_83 : memref<!tpu.dma_semaphore, #tpu.memory_space<semaphore_mem>>)
      %dma_wait3A_94 = arith.constant 0 : i32
      %dma_wait3A_95 = tpu.memref_slice %arg6[%run_scoped3A_9, %dma_wait3A_94] : memref<4x128xi32, #tpu.memory_space<vmem>> -> memref<1x128xi32, #tpu.memory_space<vmem>>
      %dma_wait3A_96 = tpu.memref_squeeze %dma_wait3A_95 : memref<1x128xi32, #tpu.memory_space<vmem>> -> memref<128xi32, #tpu.memory_space<vmem>>
      %dma_wait3A_97 = tpu.memref_slice %arg2[%run_scoped3A_8, %mul3A_2] : memref<4x4096xi32, #tpu.memory_space<hbm>> -> memref<1x128xi32, #tpu.memory_space<hbm>>
      %dma_wait3A_98 = tpu.memref_squeeze %dma_wait3A_97 : memref<1x128xi32, #tpu.memory_space<hbm>> -> memref<128xi32, #tpu.memory_space<hbm>>
      %dma_wait3A_99 = arith.constant 0 : i32
      %dma_wait3A_100 = tpu.memref_slice %arg6[%run_scoped3A_9, %dma_wait3A_99] : memref<4x128xi32, #tpu.memory_space<vmem>> -> memref<1x128xi32, #tpu.memory_space<vmem>>
      %dma_wait3A_101 = tpu.memref_squeeze %dma_wait3A_100 : memref<1x128xi32, #tpu.memory_space<vmem>> -> memref<128xi32, #tpu.memory_space<vmem>>
      %dma_wait3A_102 = tpu.memref_slice %arg2[%run_scoped3A_8, %mul3A_2] : memref<4x4096xi32, #tpu.memory_space<hbm>> -> memref<1x128xi32, #tpu.memory_space<hbm>>
      %dma_wait3A_103 = tpu.memref_squeeze %dma_wait3A_102 : memref<1x128xi32, #tpu.memory_space<hbm>> -> memref<128xi32, #tpu.memory_space<hbm>>
      tpu.wait_dma2 semaphore(%run_scoped3A_83 : memref<!tpu.dma_semaphore, #tpu.memory_space<semaphore_mem>>) src(%dma_wait3A_103 : memref<128xi32, #tpu.memory_space<hbm>>) dst(%dma_wait3A_101 : memref<128xi32, #tpu.memory_space<vmem>>)
      tpu.yield
    }) : () -> ()
    %add3A_10 = arith.constant 0 : i32
    %add3A_11 = arith.addi %mul3A_2, %add3A_10 : i32
    %dma_start3A = arith.constant 0 : i32
    %dma_start3A_12 = tpu.memref_slice %arg4[%add3A_11, %dma_start3A] : memref<8192x4096xf32, #tpu.memory_space<hbm>> -> memref<4x4096xf32, #tpu.memory_space<hbm>>
    %dma_start3A_13 = arith.constant 0 : i32
    %dma_start3A_14 = tpu.memref_slice %arg4[%add3A_11, %dma_start3A_13] : memref<8192x4096xf32, #tpu.memory_space<hbm>> -> memref<4x4096xf32, #tpu.memory_space<hbm>>
    tpu.enqueue_dma source(%dma_start3A_14 : memref<4x4096xf32, #tpu.memory_space<hbm>>) target(%arg11 : memref<4x4096xf32, #tpu.memory_space<vmem>>) target_semaphore(%arg17 : memref<!tpu.dma_semaphore, #tpu.memory_space<semaphore_mem>>)
    %add3A_15 = arith.constant 4 : i32
    %add3A_16 = arith.addi %mul3A_2, %add3A_15 : i32
    %dma_start3A_17 = arith.constant 0 : i32
    %dma_start3A_18 = tpu.memref_slice %arg4[%add3A_16, %dma_start3A_17] : memref<8192x4096xf32, #tpu.memory_space<hbm>> -> memref<4x4096xf32, #tpu.memory_space<hbm>>
    %dma_start3A_19 = arith.constant 0 : i32
    %dma_start3A_20 = tpu.memref_slice %arg4[%add3A_16, %dma_start3A_19] : memref<8192x4096xf32, #tpu.memory_space<hbm>> -> memref<4x4096xf32, #tpu.memory_space<hbm>>
    tpu.enqueue_dma source(%dma_start3A_20 : memref<4x4096xf32, #tpu.memory_space<hbm>>) target(%arg12 : memref<4x4096xf32, #tpu.memory_space<vmem>>) target_semaphore(%arg18 : memref<!tpu.dma_semaphore, #tpu.memory_space<semaphore_mem>>)
    %dma_start3A_21 = arith.constant 0 : i32
    %dma_start3A_22 = arith.constant 0 : i32
    %dma_start3A_23 = tpu.memref_slice %arg6[%dma_start3A_21, %dma_start3A_22] : memref<4x128xi32, #tpu.memory_space<vmem>> -> memref<1x4xi32, #tpu.memory_space<vmem>>
    %dma_start3A_24 = tpu.memref_squeeze %dma_start3A_23 : memref<1x4xi32, #tpu.memory_space<vmem>> -> memref<4xi32, #tpu.memory_space<vmem>>
    %dma_start3A_25 = arith.constant 0 : i32
    %dma_start3A_26 = arith.constant 0 : i32
    %dma_start3A_27 = tpu.memref_slice %arg3[%dma_start3A_25, %dma_start3A_26] : memref<100000x4096xf32, #tpu.memory_space<hbm>> -> memref<100000x4096xf32, #tpu.memory_space<hbm>>
    tpu.enqueue_indirect_dma source(%dma_start3A_27 : memref<100000x4096xf32, #tpu.memory_space<hbm>>) target(%arg7 : memref<4x4096xf32, #tpu.memory_space<vmem>>) offsets(%dma_start3A_24 : memref<4xi32, #tpu.memory_space<vmem>>) semaphore(%arg13 : memref<!tpu.dma_semaphore, #tpu.memory_space<semaphore_mem>>)
    %dma_start3A_28 = arith.constant 1 : i32
    %dma_start3A_29 = arith.constant 0 : i32
    %dma_start3A_30 = tpu.memref_slice %arg6[%dma_start3A_28, %dma_start3A_29] : memref<4x128xi32, #tpu.memory_space<vmem>> -> memref<1x4xi32, #tpu.memory_space<vmem>>
    %dma_start3A_31 = tpu.memref_squeeze %dma_start3A_30 : memref<1x4xi32, #tpu.memory_space<vmem>> -> memref<4xi32, #tpu.memory_space<vmem>>
    %dma_start3A_32 = arith.constant 0 : i32
    %dma_start3A_33 = arith.constant 0 : i32
    %dma_start3A_34 = tpu.memref_slice %arg3[%dma_start3A_32, %dma_start3A_33] : memref<100000x4096xf32, #tpu.memory_space<hbm>> -> memref<100000x4096xf32, #tpu.memory_space<hbm>>
    tpu.enqueue_indirect_dma source(%dma_start3A_34 : memref<100000x4096xf32, #tpu.memory_space<hbm>>) target(%arg8 : memref<4x4096xf32, #tpu.memory_space<vmem>>) offsets(%dma_start3A_31 : memref<4xi32, #tpu.memory_space<vmem>>) semaphore(%arg14 : memref<!tpu.dma_semaphore, #tpu.memory_space<semaphore_mem>>)
    %scan3A = arith.constant 0 : i32
    %scan3A_35 = arith.constant 0 : i32
    %scan3A_36 = arith.constant 16 : i32
    %scan3A_37 = arith.addi %scan3A_35, %scan3A_36 : i32
    %scan3A_38 = arith.constant 1 : i32
    scf.for %scan3A_83 = %scan3A_35 to %scan3A_37 step %scan3A_38  : i32 {
      %mul3A_84 = arith.constant 2 : i32
      %mul3A_85 = arith.muli %mul3A_84, %scan3A_83 : i32
      %add3A_86 = arith.constant 0 : i32
      %add3A_87 = arith.addi %mul3A_85, %add3A_86 : i32
      %mul3A_88 = arith.constant 4 : i32
      %mul3A_89 = arith.muli %add3A_87, %mul3A_88 : i32
      %dma_wait3A_90 = arith.constant 0 : i32
      %dma_wait3A_91 = tpu.memref_slice %arg6[%dma_wait3A_90, %mul3A_89] : memref<4x128xi32, #tpu.memory_space<vmem>> -> memref<1x4xi32, #tpu.memory_space<vmem>>
      %dma_wait3A_92 = tpu.memref_squeeze %dma_wait3A_91 : memref<1x4xi32, #tpu.memory_space<vmem>> -> memref<4xi32, #tpu.memory_space<vmem>>
      %dma_wait3A_93 = arith.constant 0 : i32
      %dma_wait3A_94 = arith.constant 0 : i32
      %dma_wait3A_95 = tpu.memref_slice %arg3[%dma_wait3A_93, %dma_wait3A_94] : memref<100000x4096xf32, #tpu.memory_space<hbm>> -> memref<100000x4096xf32, #tpu.memory_space<hbm>>
      tpu.wait_indirect_dma semaphore(%arg13 : memref<!tpu.dma_semaphore, #tpu.memory_space<semaphore_mem>>) src(%dma_wait3A_95 : memref<100000x4096xf32, #tpu.memory_space<hbm>>) dst(%arg7 : memref<4x4096xf32, #tpu.memory_space<vmem>>)
      %mul3A_96 = arith.constant 4 : i32
      %mul3A_97 = arith.muli %add3A_87, %mul3A_96 : i32
      %add3A_98 = arith.addi %mul3A_2, %mul3A_97 : i32
      %dma_wait3A_99 = arith.constant 0 : i32
      %dma_wait3A_100 = tpu.memref_slice %arg4[%add3A_98, %dma_wait3A_99] : memref<8192x4096xf32, #tpu.memory_space<hbm>> -> memref<4x4096xf32, #tpu.memory_space<hbm>>
      %dma_wait3A_101 = arith.constant 0 : i32
      %dma_wait3A_102 = tpu.memref_slice %arg4[%add3A_98, %dma_wait3A_101] : memref<8192x4096xf32, #tpu.memory_space<hbm>> -> memref<4x4096xf32, #tpu.memory_space<hbm>>
      tpu.wait_dma2 semaphore(%arg17 : memref<!tpu.dma_semaphore, #tpu.memory_space<semaphore_mem>>) src(%dma_wait3A_102 : memref<4x4096xf32, #tpu.memory_space<hbm>>) dst(%arg11 : memref<4x4096xf32, #tpu.memory_space<vmem>>)
      %gt3A = arith.constant 0 : i32
      %gt3A_103 = arith.cmpi sgt, %add3A_87, %gt3A : i32
      %convert_element_type3A = arith.extui %gt3A_103 : i1 to i32
      %cond3A = arith.constant 0 : i32
      %cond3A_104 = arith.cmpi ne, %convert_element_type3A, %cond3A : i32
      scf.if %cond3A_104 {
        %mul3A_456 = arith.constant 4 : i32
        %mul3A_457 = arith.muli %add3A_87, %mul3A_456 : i32
        %add3A_458 = arith.addi %mul3A_2, %mul3A_457 : i32
        %dma_wait3A_459 = arith.constant 0 : i32
        %dma_wait3A_460 = arith.constant 0 : i32
        %dma_wait3A_461 = tpu.memref_slice %arg5[%dma_wait3A_459, %add3A_458, %dma_wait3A_460] : memref<4x4096x4096xf32, #tpu.memory_space<hbm>> -> memref<1x4x4096xf32, #tpu.memory_space<hbm>>
        %dma_wait3A_462 = tpu.memref_squeeze %dma_wait3A_461 : memref<1x4x4096xf32, #tpu.memory_space<hbm>> -> memref<4x4096xf32, #tpu.memory_space<hbm>>
        %dma_wait3A_463 = arith.constant 0 : i32
        %dma_wait3A_464 = tpu.memref_slice %arg5[%dma_wait3A_459, %add3A_458, %dma_wait3A_463] : memref<4x4096x4096xf32, #tpu.memory_space<hbm>> -> memref<1x4x4096xf32, #tpu.memory_space<hbm>>
        %dma_wait3A_465 = tpu.memref_squeeze %dma_wait3A_464 : memref<1x4x4096xf32, #tpu.memory_space<hbm>> -> memref<4x4096xf32, #tpu.memory_space<hbm>>
        tpu.wait_dma2 semaphore(%arg15 : memref<!tpu.dma_semaphore, #tpu.memory_space<semaphore_mem>>) src(%arg9 : memref<4x4096xf32, #tpu.memory_space<vmem>>) dst(%dma_wait3A_465 : memref<4x4096xf32, #tpu.memory_space<hbm>>)
      } else {
      }
      %scan3A_105 = arith.constant 0 : i32
      %scan3A_106 = arith.constant 0 : i32
      %scan3A_107 = arith.constant 256 : i32
      %scan3A_108 = arith.addi %scan3A_106, %scan3A_107 : i32
      %scan3A_109 = arith.constant 1 : i32
      scf.for %scan3A_456 = %scan3A_106 to %scan3A_108 step %scan3A_109  : i32 {
        %mul3A_457 = arith.constant 16 : i32
        %mul3A_458 = arith.muli %scan3A_456, %mul3A_457 : i32
        %get3A = arith.constant 0 : i32
        %get3A_459 = arith.index_cast %get3A : i32 to index
        %get3A_460 = arith.index_cast %mul3A_458 : i32 to index
        %get3A_461 = tpu.vector_load %arg7[%get3A_459, %get3A_460] {strides = array<i32>} : memref<4x4096xf32, #tpu.memory_space<vmem>>, vector<1x16xf32>,
        %get3A_462 = vector.shape_cast %get3A_461 : vector<1x16xf32> to vector<16xf32>
        %mul3A_463 = arith.constant 6.400000e+01 : f32
        %mul3A_464 = vector.broadcast %mul3A_463 : f32 to vector<16xf32>
        %mul3A_465 = arith.mulf %get3A_462, %mul3A_464 : vector<16xf32>
        %get3A_466 = arith.constant 0 : i32
        %get3A_467 = arith.index_cast %get3A_466 : i32 to index
        %get3A_468 = arith.index_cast %mul3A_458 : i32 to index
        %get3A_469 = tpu.vector_load %arg11[%get3A_467, %get3A_468] {strides = array<i32>} : memref<4x4096xf32, #tpu.memory_space<vmem>>, vector<1x16xf32>,
        %get3A_470 = vector.shape_cast %get3A_469 : vector<1x16xf32> to vector<16xf32>
        %add3A_471 = arith.addf %mul3A_465, %get3A_470 : vector<16xf32>
        %swap3A = arith.constant 0 : i32
        %swap3A_472 = arith.index_cast %swap3A : i32 to index
        %swap3A_473 = arith.index_cast %mul3A_458 : i32 to index
        %swap3A_474 = tpu.vector_load %arg9[%swap3A_472, %swap3A_473] {strides = array<i32>} : memref<4x4096xf32, #tpu.memory_space<vmem>>, vector<1x16xf32>,
        %swap3A_475 = vector.shape_cast %swap3A_474 : vector<1x16xf32> to vector<16xf32>
        %swap3A_476 = vector.shape_cast %add3A_471 : vector<16xf32> to vector<1x16xf32>
        tpu.vector_store %arg9[%swap3A_472, %swap3A_473], %swap3A_476 {strides = array<i32>} : memref<4x4096xf32, #tpu.memory_space<vmem>>, vector<1x16xf32>,
        %get3A_477 = arith.constant 1 : i32
        %get3A_478 = arith.index_cast %get3A_477 : i32 to index
        %get3A_479 = arith.index_cast %mul3A_458 : i32 to index
        %get3A_480 = tpu.vector_load %arg7[%get3A_478, %get3A_479] {strides = array<i32>} : memref<4x4096xf32, #tpu.memory_space<vmem>>, vector<1x16xf32>,
        %get3A_481 = vector.shape_cast %get3A_480 : vector<1x16xf32> to vector<16xf32>
        %mul3A_482 = arith.constant 6.400000e+01 : f32
        %mul3A_483 = vector.broadcast %mul3A_482 : f32 to vector<16xf32>
        %mul3A_484 = arith.mulf %get3A_481, %mul3A_483 : vector<16xf32>
        %get3A_485 = arith.constant 1 : i32
        %get3A_486 = arith.index_cast %get3A_485 : i32 to index
        %get3A_487 = arith.index_cast %mul3A_458 : i32 to index
        %get3A_488 = tpu.vector_load %arg11[%get3A_486, %get3A_487] {strides = array<i32>} : memref<4x4096xf32, #tpu.memory_space<vmem>>, vector<1x16xf32>,
        %get3A_489 = vector.shape_cast %get3A_488 : vector<1x16xf32> to vector<16xf32>
        %add3A_490 = arith.addf %mul3A_484, %get3A_489 : vector<16xf32>
        %swap3A_491 = arith.constant 1 : i32
        %swap3A_492 = arith.index_cast %swap3A_491 : i32 to index
        %swap3A_493 = arith.index_cast %mul3A_458 : i32 to index
        %swap3A_494 = tpu.vector_load %arg9[%swap3A_492, %swap3A_493] {strides = array<i32>} : memref<4x4096xf32, #tpu.memory_space<vmem>>, vector<1x16xf32>,
        %swap3A_495 = vector.shape_cast %swap3A_494 : vector<1x16xf32> to vector<16xf32>
        %swap3A_496 = vector.shape_cast %add3A_490 : vector<16xf32> to vector<1x16xf32>
        tpu.vector_store %arg9[%swap3A_492, %swap3A_493], %swap3A_496 {strides = array<i32>} : memref<4x4096xf32, #tpu.memory_space<vmem>>, vector<1x16xf32>,
        %get3A_497 = arith.constant 2 : i32
        %get3A_498 = arith.index_cast %get3A_497 : i32 to index
        %get3A_499 = arith.index_cast %mul3A_458 : i32 to index
        %get3A_500 = tpu.vector_load %arg7[%get3A_498, %get3A_499] {strides = array<i32>} : memref<4x4096xf32, #tpu.memory_space<vmem>>, vector<1x16xf32>,
        %get3A_501 = vector.shape_cast %get3A_500 : vector<1x16xf32> to vector<16xf32>
        %mul3A_502 = arith.constant 6.400000e+01 : f32
        %mul3A_503 = vector.broadcast %mul3A_502 : f32 to vector<16xf32>
        %mul3A_504 = arith.mulf %get3A_501, %mul3A_503 : vector<16xf32>
        %get3A_505 = arith.constant 2 : i32
        %get3A_506 = arith.index_cast %get3A_505 : i32 to index
        %get3A_507 = arith.index_cast %mul3A_458 : i32 to index
        %get3A_508 = tpu.vector_load %arg11[%get3A_506, %get3A_507] {strides = array<i32>} : memref<4x4096xf32, #tpu.memory_space<vmem>>, vector<1x16xf32>,
        %get3A_509 = vector.shape_cast %get3A_508 : vector<1x16xf32> to vector<16xf32>
        %add3A_510 = arith.addf %mul3A_504, %get3A_509 : vector<16xf32>
        %swap3A_511 = arith.constant 2 : i32
        %swap3A_512 = arith.index_cast %swap3A_511 : i32 to index
        %swap3A_513 = arith.index_cast %mul3A_458 : i32 to index
        %swap3A_514 = tpu.vector_load %arg9[%swap3A_512, %swap3A_513] {strides = array<i32>} : memref<4x4096xf32, #tpu.memory_space<vmem>>, vector<1x16xf32>,
        %swap3A_515 = vector.shape_cast %swap3A_514 : vector<1x16xf32> to vector<16xf32>
        %swap3A_516 = vector.shape_cast %add3A_510 : vector<16xf32> to vector<1x16xf32>
        tpu.vector_store %arg9[%swap3A_512, %swap3A_513], %swap3A_516 {strides = array<i32>} : memref<4x4096xf32, #tpu.memory_space<vmem>>, vector<1x16xf32>,
        %get3A_517 = arith.constant 3 : i32
        %get3A_518 = arith.index_cast %get3A_517 : i32 to index
        %get3A_519 = arith.index_cast %mul3A_458 : i32 to index
        %get3A_520 = tpu.vector_load %arg7[%get3A_518, %get3A_519] {strides = array<i32>} : memref<4x4096xf32, #tpu.memory_space<vmem>>, vector<1x16xf32>,
        %get3A_521 = vector.shape_cast %get3A_520 : vector<1x16xf32> to vector<16xf32>
        %mul3A_522 = arith.constant 6.400000e+01 : f32
        %mul3A_523 = vector.broadcast %mul3A_522 : f32 to vector<16xf32>
        %mul3A_524 = arith.mulf %get3A_521, %mul3A_523 : vector<16xf32>
        %get3A_525 = arith.constant 3 : i32
        %get3A_526 = arith.index_cast %get3A_525 : i32 to index
        %get3A_527 = arith.index_cast %mul3A_458 : i32 to index
        %get3A_528 = tpu.vector_load %arg11[%get3A_526, %get3A_527] {strides = array<i32>} : memref<4x4096xf32, #tpu.memory_space<vmem>>, vector<1x16xf32>,
        %get3A_529 = vector.shape_cast %get3A_528 : vector<1x16xf32> to vector<16xf32>
        %add3A_530 = arith.addf %mul3A_524, %get3A_529 : vector<16xf32>
        %swap3A_531 = arith.constant 3 : i32
        %swap3A_532 = arith.index_cast %swap3A_531 : i32 to index
        %swap3A_533 = arith.index_cast %mul3A_458 : i32 to index
        %swap3A_534 = tpu.vector_load %arg9[%swap3A_532, %swap3A_533] {strides = array<i32>} : memref<4x4096xf32, #tpu.memory_space<vmem>>, vector<1x16xf32>,
        %swap3A_535 = vector.shape_cast %swap3A_534 : vector<1x16xf32> to vector<16xf32>
        %swap3A_536 = vector.shape_cast %add3A_530 : vector<16xf32> to vector<1x16xf32>
        tpu.vector_store %arg9[%swap3A_532, %swap3A_533], %swap3A_536 {strides = array<i32>} : memref<4x4096xf32, #tpu.memory_space<vmem>>, vector<1x16xf32>,
      }
      %scan3A_110 = arith.constant 256 : i32
      %mul3A_111 = arith.constant 4 : i32
      %mul3A_112 = arith.muli %add3A_87, %mul3A_111 : i32
      %add3A_113 = arith.addi %mul3A_2, %mul3A_112 : i32
      %dma_start3A_114 = arith.constant 0 : i32
      %dma_start3A_115 = arith.constant 0 : i32
      %dma_start3A_116 = tpu.memref_slice %arg5[%dma_start3A_114, %add3A_113, %dma_start3A_115] : memref<4x4096x4096xf32, #tpu.memory_space<hbm>> -> memref<1x4x4096xf32, #tpu.memory_space<hbm>>
      %dma_start3A_117 = tpu.memref_squeeze %dma_start3A_116 : memref<1x4x4096xf32, #tpu.memory_space<hbm>> -> memref<4x4096xf32, #tpu.memory_space<hbm>>
      %dma_start3A_118 = arith.constant 0 : i32
      %dma_start3A_119 = tpu.memref_slice %arg5[%dma_start3A_114, %add3A_113, %dma_start3A_118] : memref<4x4096x4096xf32, #tpu.memory_space<hbm>> -> memref<1x4x4096xf32, #tpu.memory_space<hbm>>
      %dma_start3A_120 = tpu.memref_squeeze %dma_start3A_119 : memref<1x4x4096xf32, #tpu.memory_space<hbm>> -> memref<4x4096xf32, #tpu.memory_space<hbm>>
      tpu.enqueue_dma source(%arg9 : memref<4x4096xf32, #tpu.memory_space<vmem>>) target(%dma_start3A_120 : memref<4x4096xf32, #tpu.memory_space<hbm>>) target_semaphore(%arg15 : memref<!tpu.dma_semaphore, #tpu.memory_space<semaphore_mem>>)
      %mul3A_121 = arith.constant 4 : i32
      %mul3A_122 = arith.muli %add3A_87, %mul3A_121 : i32
      %dma_start3A_123 = arith.constant 2 : i32
      %dma_start3A_124 = tpu.memref_slice %arg6[%dma_start3A_123, %mul3A_122] : memref<4x128xi32, #tpu.memory_space<vmem>> -> memref<1x4xi32, #tpu.memory_space<vmem>>
      %dma_start3A_125 = tpu.memref_squeeze %dma_start3A_124 : memref<1x4xi32, #tpu.memory_space<vmem>> -> memref<4xi32, #tpu.memory_space<vmem>>
      %dma_start3A_126 = arith.constant 0 : i32
      %dma_start3A_127 = arith.constant 0 : i32
      %dma_start3A_128 = tpu.memref_slice %arg3[%dma_start3A_126, %dma_start3A_127] : memref<100000x4096xf32, #tpu.memory_space<hbm>> -> memref<100000x4096xf32, #tpu.memory_space<hbm>>
      tpu.enqueue_indirect_dma source(%dma_start3A_128 : memref<100000x4096xf32, #tpu.memory_space<hbm>>) target(%arg7 : memref<4x4096xf32, #tpu.memory_space<vmem>>) offsets(%dma_start3A_125 : memref<4xi32, #tpu.memory_space<vmem>>) semaphore(%arg13 : memref<!tpu.dma_semaphore, #tpu.memory_space<semaphore_mem>>)
      %mul3A_129 = arith.constant 4 : i32
      %mul3A_130 = arith.muli %add3A_87, %mul3A_129 : i32
      %dma_wait3A_131 = arith.constant 1 : i32
      %dma_wait3A_132 = tpu.memref_slice %arg6[%dma_wait3A_131, %mul3A_130] : memref<4x128xi32, #tpu.memory_space<vmem>> -> memref<1x4xi32, #tpu.memory_space<vmem>>
      %dma_wait3A_133 = tpu.memref_squeeze %dma_wait3A_132 : memref<1x4xi32, #tpu.memory_space<vmem>> -> memref<4xi32, #tpu.memory_space<vmem>>
      %dma_wait3A_134 = arith.constant 0 : i32
      %dma_wait3A_135 = arith.constant 0 : i32
      %dma_wait3A_136 = tpu.memref_slice %arg3[%dma_wait3A_134, %dma_wait3A_135] : memref<100000x4096xf32, #tpu.memory_space<hbm>> -> memref<100000x4096xf32, #tpu.memory_space<hbm>>
      tpu.wait_indirect_dma semaphore(%arg14 : memref<!tpu.dma_semaphore, #tpu.memory_space<semaphore_mem>>) src(%dma_wait3A_136 : memref<100000x4096xf32, #tpu.memory_space<hbm>>) dst(%arg8 : memref<4x4096xf32, #tpu.memory_space<vmem>>)
      %gt3A_137 = arith.constant 0 : i32
      %gt3A_138 = arith.cmpi sgt, %add3A_87, %gt3A_137 : i32
      %convert_element_type3A_139 = arith.extui %gt3A_138 : i1 to i32
      %cond3A_140 = arith.constant 0 : i32
      %cond3A_141 = arith.cmpi ne, %convert_element_type3A_139, %cond3A_140 : i32
      scf.if %cond3A_141 {
        %mul3A_456 = arith.constant 4 : i32
        %mul3A_457 = arith.muli %add3A_87, %mul3A_456 : i32
        %add3A_458 = arith.addi %mul3A_2, %mul3A_457 : i32
        %dma_wait3A_459 = arith.constant 1 : i32
        %dma_wait3A_460 = arith.constant 0 : i32
        %dma_wait3A_461 = tpu.memref_slice %arg5[%dma_wait3A_459, %add3A_458, %dma_wait3A_460] : memref<4x4096x4096xf32, #tpu.memory_space<hbm>> -> memref<1x4x4096xf32, #tpu.memory_space<hbm>>
        %dma_wait3A_462 = tpu.memref_squeeze %dma_wait3A_461 : memref<1x4x4096xf32, #tpu.memory_space<hbm>> -> memref<4x4096xf32, #tpu.memory_space<hbm>>
        %dma_wait3A_463 = arith.constant 0 : i32
        %dma_wait3A_464 = tpu.memref_slice %arg5[%dma_wait3A_459, %add3A_458, %dma_wait3A_463] : memref<4x4096x4096xf32, #tpu.memory_space<hbm>> -> memref<1x4x4096xf32, #tpu.memory_space<hbm>>
        %dma_wait3A_465 = tpu.memref_squeeze %dma_wait3A_464 : memref<1x4x4096xf32, #tpu.memory_space<hbm>> -> memref<4x4096xf32, #tpu.memory_space<hbm>>
        tpu.wait_dma2 semaphore(%arg16 : memref<!tpu.dma_semaphore, #tpu.memory_space<semaphore_mem>>) src(%arg10 : memref<4x4096xf32, #tpu.memory_space<vmem>>) dst(%dma_wait3A_465 : memref<4x4096xf32, #tpu.memory_space<hbm>>)
      } else {
      }
      %scan3A_142 = arith.constant 0 : i32
      %scan3A_143 = arith.constant 0 : i32
      %scan3A_144 = arith.constant 256 : i32
      %scan3A_145 = arith.addi %scan3A_143, %scan3A_144 : i32
      %scan3A_146 = arith.constant 1 : i32
      scf.for %scan3A_456 = %scan3A_143 to %scan3A_145 step %scan3A_146  : i32 {
        %mul3A_457 = arith.constant 16 : i32
        %mul3A_458 = arith.muli %scan3A_456, %mul3A_457 : i32
        %get3A = arith.constant 0 : i32
        %get3A_459 = arith.index_cast %get3A : i32 to index
        %get3A_460 = arith.index_cast %mul3A_458 : i32 to index
        %get3A_461 = tpu.vector_load %arg8[%get3A_459, %get3A_460] {strides = array<i32>} : memref<4x4096xf32, #tpu.memory_space<vmem>>, vector<1x16xf32>,
        %get3A_462 = vector.shape_cast %get3A_461 : vector<1x16xf32> to vector<16xf32>
        %mul3A_463 = arith.constant 6.400000e+01 : f32
        %mul3A_464 = vector.broadcast %mul3A_463 : f32 to vector<16xf32>
        %mul3A_465 = arith.mulf %get3A_462, %mul3A_464 : vector<16xf32>
        %get3A_466 = arith.constant 0 : i32
        %get3A_467 = arith.index_cast %get3A_466 : i32 to index
        %get3A_468 = arith.index_cast %mul3A_458 : i32 to index
        %get3A_469 = tpu.vector_load %arg11[%get3A_467, %get3A_468] {strides = array<i32>} : memref<4x4096xf32, #tpu.memory_space<vmem>>, vector<1x16xf32>,
        %get3A_470 = vector.shape_cast %get3A_469 : vector<1x16xf32> to vector<16xf32>
        %add3A_471 = arith.addf %mul3A_465, %get3A_470 : vector<16xf32>
        %swap3A = arith.constant 0 : i32
        %swap3A_472 = arith.index_cast %swap3A : i32 to index
        %swap3A_473 = arith.index_cast %mul3A_458 : i32 to index
        %swap3A_474 = tpu.vector_load %arg10[%swap3A_472, %swap3A_473] {strides = array<i32>} : memref<4x4096xf32, #tpu.memory_space<vmem>>, vector<1x16xf32>,
        %swap3A_475 = vector.shape_cast %swap3A_474 : vector<1x16xf32> to vector<16xf32>
        %swap3A_476 = vector.shape_cast %add3A_471 : vector<16xf32> to vector<1x16xf32>
        tpu.vector_store %arg10[%swap3A_472, %swap3A_473], %swap3A_476 {strides = array<i32>} : memref<4x4096xf32, #tpu.memory_space<vmem>>, vector<1x16xf32>,
        %get3A_477 = arith.constant 1 : i32
        %get3A_478 = arith.index_cast %get3A_477 : i32 to index
        %get3A_479 = arith.index_cast %mul3A_458 : i32 to index
        %get3A_480 = tpu.vector_load %arg8[%get3A_478, %get3A_479] {strides = array<i32>} : memref<4x4096xf32, #tpu.memory_space<vmem>>, vector<1x16xf32>,
        %get3A_481 = vector.shape_cast %get3A_480 : vector<1x16xf32> to vector<16xf32>
        %mul3A_482 = arith.constant 6.400000e+01 : f32
        %mul3A_483 = vector.broadcast %mul3A_482 : f32 to vector<16xf32>
        %mul3A_484 = arith.mulf %get3A_481, %mul3A_483 : vector<16xf32>
        %get3A_485 = arith.constant 1 : i32
        %get3A_486 = arith.index_cast %get3A_485 : i32 to index
        %get3A_487 = arith.index_cast %mul3A_458 : i32 to index
        %get3A_488 = tpu.vector_load %arg11[%get3A_486, %get3A_487] {strides = array<i32>} : memref<4x4096xf32, #tpu.memory_space<vmem>>, vector<1x16xf32>,
        %get3A_489 = vector.shape_cast %get3A_488 : vector<1x16xf32> to vector<16xf32>
        %add3A_490 = arith.addf %mul3A_484, %get3A_489 : vector<16xf32>
        %swap3A_491 = arith.constant 1 : i32
        %swap3A_492 = arith.index_cast %swap3A_491 : i32 to index
        %swap3A_493 = arith.index_cast %mul3A_458 : i32 to index
        %swap3A_494 = tpu.vector_load %arg10[%swap3A_492, %swap3A_493] {strides = array<i32>} : memref<4x4096xf32, #tpu.memory_space<vmem>>, vector<1x16xf32>,
        %swap3A_495 = vector.shape_cast %swap3A_494 : vector<1x16xf32> to vector<16xf32>
        %swap3A_496 = vector.shape_cast %add3A_490 : vector<16xf32> to vector<1x16xf32>
        tpu.vector_store %arg10[%swap3A_492, %swap3A_493], %swap3A_496 {strides = array<i32>} : memref<4x4096xf32, #tpu.memory_space<vmem>>, vector<1x16xf32>,
        %get3A_497 = arith.constant 2 : i32
        %get3A_498 = arith.index_cast %get3A_497 : i32 to index
        %get3A_499 = arith.index_cast %mul3A_458 : i32 to index
        %get3A_500 = tpu.vector_load %arg8[%get3A_498, %get3A_499] {strides = array<i32>} : memref<4x4096xf32, #tpu.memory_space<vmem>>, vector<1x16xf32>,
        %get3A_501 = vector.shape_cast %get3A_500 : vector<1x16xf32> to vector<16xf32>
        %mul3A_502 = arith.constant 6.400000e+01 : f32
        %mul3A_503 = vector.broadcast %mul3A_502 : f32 to vector<16xf32>
        %mul3A_504 = arith.mulf %get3A_501, %mul3A_503 : vector<16xf32>
        %get3A_505 = arith.constant 2 : i32
        %get3A_506 = arith.index_cast %get3A_505 : i32 to index
        %get3A_507 = arith.index_cast %mul3A_458 : i32 to index
        %get3A_508 = tpu.vector_load %arg11[%get3A_506, %get3A_507] {strides = array<i32>} : memref<4x4096xf32, #tpu.memory_space<vmem>>, vector<1x16xf32>,
        %get3A_509 = vector.shape_cast %get3A_508 : vector<1x16xf32> to vector<16xf32>
        %add3A_510 = arith.addf %mul3A_504, %get3A_509 : vector<16xf32>
        %swap3A_511 = arith.constant 2 : i32
        %swap3A_512 = arith.index_cast %swap3A_511 : i32 to index
        %swap3A_513 = arith.index_cast %mul3A_458 : i32 to index
        %swap3A_514 = tpu.vector_load %arg10[%swap3A_512, %swap3A_513] {strides = array<i32>} : memref<4x4096xf32, #tpu.memory_space<vmem>>, vector<1x16xf32>,
        %swap3A_515 = vector.shape_cast %swap3A_514 : vector<1x16xf32> to vector<16xf32>
        %swap3A_516 = vector.shape_cast %add3A_510 : vector<16xf32> to vector<1x16xf32>
        tpu.vector_store %arg10[%swap3A_512, %swap3A_513], %swap3A_516 {strides = array<i32>} : memref<4x4096xf32, #tpu.memory_space<vmem>>, vector<1x16xf32>,
        %get3A_517 = arith.constant 3 : i32
        %get3A_518 = arith.index_cast %get3A_517 : i32 to index
        %get3A_519 = arith.index_cast %mul3A_458 : i32 to index
        %get3A_520 = tpu.vector_load %arg8[%get3A_518, %get3A_519] {strides = array<i32>} : memref<4x4096xf32, #tpu.memory_space<vmem>>, vector<1x16xf32>,
        %get3A_521 = vector.shape_cast %get3A_520 : vector<1x16xf32> to vector<16xf32>
        %mul3A_522 = arith.constant 6.400000e+01 : f32
        %mul3A_523 = vector.broadcast %mul3A_522 : f32 to vector<16xf32>
        %mul3A_524 = arith.mulf %get3A_521, %mul3A_523 : vector<16xf32>
        %get3A_525 = arith.constant 3 : i32
        %get3A_526 = arith.index_cast %get3A_525 : i32 to index
        %get3A_527 = arith.index_cast %mul3A_458 : i32 to index
        %get3A_528 = tpu.vector_load %arg11[%get3A_526, %get3A_527] {strides = array<i32>} : memref<4x4096xf32, #tpu.memory_space<vmem>>, vector<1x16xf32>,
        %get3A_529 = vector.shape_cast %get3A_528 : vector<1x16xf32> to vector<16xf32>
        %add3A_530 = arith.addf %mul3A_524, %get3A_529 : vector<16xf32>
        %swap3A_531 = arith.constant 3 : i32
        %swap3A_532 = arith.index_cast %swap3A_531 : i32 to index
        %swap3A_533 = arith.index_cast %mul3A_458 : i32 to index
        %swap3A_534 = tpu.vector_load %arg10[%swap3A_532, %swap3A_533] {strides = array<i32>} : memref<4x4096xf32, #tpu.memory_space<vmem>>, vector<1x16xf32>,
        %swap3A_535 = vector.shape_cast %swap3A_534 : vector<1x16xf32> to vector<16xf32>
        %swap3A_536 = vector.shape_cast %add3A_530 : vector<16xf32> to vector<1x16xf32>
        tpu.vector_store %arg10[%swap3A_532, %swap3A_533], %swap3A_536 {strides = array<i32>} : memref<4x4096xf32, #tpu.memory_space<vmem>>, vector<1x16xf32>,
      }
      %scan3A_147 = arith.constant 256 : i32
      %mul3A_148 = arith.constant 4 : i32
      %mul3A_149 = arith.muli %add3A_87, %mul3A_148 : i32
      %add3A_150 = arith.addi %mul3A_2, %mul3A_149 : i32
      %dma_start3A_151 = arith.constant 1 : i32
      %dma_start3A_152 = arith.constant 0 : i32
      %dma_start3A_153 = tpu.memref_slice %arg5[%dma_start3A_151, %add3A_150, %dma_start3A_152] : memref<4x4096x4096xf32, #tpu.memory_space<hbm>> -> memref<1x4x4096xf32, #tpu.memory_space<hbm>>
      %dma_start3A_154 = tpu.memref_squeeze %dma_start3A_153 : memref<1x4x4096xf32, #tpu.memory_space<hbm>> -> memref<4x4096xf32, #tpu.memory_space<hbm>>
      %dma_start3A_155 = arith.constant 0 : i32
      %dma_start3A_156 = tpu.memref_slice %arg5[%dma_start3A_151, %add3A_150, %dma_start3A_155] : memref<4x4096x4096xf32, #tpu.memory_space<hbm>> -> memref<1x4x4096xf32, #tpu.memory_space<hbm>>
      %dma_start3A_157 = tpu.memref_squeeze %dma_start3A_156 : memref<1x4x4096xf32, #tpu.memory_space<hbm>> -> memref<4x4096xf32, #tpu.memory_space<hbm>>
      tpu.enqueue_dma source(%arg10 : memref<4x4096xf32, #tpu.memory_space<vmem>>) target(%dma_start3A_157 : memref<4x4096xf32, #tpu.memory_space<hbm>>) target_semaphore(%arg16 : memref<!tpu.dma_semaphore, #tpu.memory_space<semaphore_mem>>)
      %mul3A_158 = arith.constant 4 : i32
      %mul3A_159 = arith.muli %add3A_87, %mul3A_158 : i32
      %dma_start3A_160 = arith.constant 3 : i32
      %dma_start3A_161 = tpu.memref_slice %arg6[%dma_start3A_160, %mul3A_159] : memref<4x128xi32, #tpu.memory_space<vmem>> -> memref<1x4xi32, #tpu.memory_space<vmem>>
      %dma_start3A_162 = tpu.memref_squeeze %dma_start3A_161 : memref<1x4xi32, #tpu.memory_space<vmem>> -> memref<4xi32, #tpu.memory_space<vmem>>
      %dma_start3A_163 = arith.constant 0 : i32
      %dma_start3A_164 = arith.constant 0 : i32
      %dma_start3A_165 = tpu.memref_slice %arg3[%dma_start3A_163, %dma_start3A_164] : memref<100000x4096xf32, #tpu.memory_space<hbm>> -> memref<100000x4096xf32, #tpu.memory_space<hbm>>
      tpu.enqueue_indirect_dma source(%dma_start3A_165 : memref<100000x4096xf32, #tpu.memory_space<hbm>>) target(%arg8 : memref<4x4096xf32, #tpu.memory_space<vmem>>) offsets(%dma_start3A_162 : memref<4xi32, #tpu.memory_space<vmem>>) semaphore(%arg14 : memref<!tpu.dma_semaphore, #tpu.memory_space<semaphore_mem>>)
      %mul3A_166 = arith.constant 4 : i32
      %mul3A_167 = arith.muli %add3A_87, %mul3A_166 : i32
      %dma_wait3A_168 = arith.constant 2 : i32
      %dma_wait3A_169 = tpu.memref_slice %arg6[%dma_wait3A_168, %mul3A_167] : memref<4x128xi32, #tpu.memory_space<vmem>> -> memref<1x4xi32, #tpu.memory_space<vmem>>
      %dma_wait3A_170 = tpu.memref_squeeze %dma_wait3A_169 : memref<1x4xi32, #tpu.memory_space<vmem>> -> memref<4xi32, #tpu.memory_space<vmem>>
      %dma_wait3A_171 = arith.constant 0 : i32
      %dma_wait3A_172 = arith.constant 0 : i32
      %dma_wait3A_173 = tpu.memref_slice %arg3[%dma_wait3A_171, %dma_wait3A_172] : memref<100000x4096xf32, #tpu.memory_space<hbm>> -> memref<100000x4096xf32, #tpu.memory_space<hbm>>
      tpu.wait_indirect_dma semaphore(%arg13 : memref<!tpu.dma_semaphore, #tpu.memory_space<semaphore_mem>>) src(%dma_wait3A_173 : memref<100000x4096xf32, #tpu.memory_space<hbm>>) dst(%arg7 : memref<4x4096xf32, #tpu.memory_space<vmem>>)
      %mul3A_174 = arith.constant 4 : i32
      %mul3A_175 = arith.muli %add3A_87, %mul3A_174 : i32
      %add3A_176 = arith.addi %mul3A_2, %mul3A_175 : i32
      %dma_wait3A_177 = arith.constant 2 : i32
      %dma_wait3A_178 = arith.constant 0 : i32
      %dma_wait3A_179 = tpu.memref_slice %arg5[%dma_wait3A_177, %add3A_176, %dma_wait3A_178] : memref<4x4096x4096xf32, #tpu.memory_space<hbm>> -> memref<1x4x4096xf32, #tpu.memory_space<hbm>>
      %dma_wait3A_180 = tpu.memref_squeeze %dma_wait3A_179 : memref<1x4x4096xf32, #tpu.memory_space<hbm>> -> memref<4x4096xf32, #tpu.memory_space<hbm>>
      %dma_wait3A_181 = arith.constant 0 : i32
      %dma_wait3A_182 = tpu.memref_slice %arg5[%dma_wait3A_177, %add3A_176, %dma_wait3A_181] : memref<4x4096x4096xf32, #tpu.memory_space<hbm>> -> memref<1x4x4096xf32, #tpu.memory_space<hbm>>
      %dma_wait3A_183 = tpu.memref_squeeze %dma_wait3A_182 : memref<1x4x4096xf32, #tpu.memory_space<hbm>> -> memref<4x4096xf32, #tpu.memory_space<hbm>>
      tpu.wait_dma2 semaphore(%arg15 : memref<!tpu.dma_semaphore, #tpu.memory_space<semaphore_mem>>) src(%arg9 : memref<4x4096xf32, #tpu.memory_space<vmem>>) dst(%dma_wait3A_183 : memref<4x4096xf32, #tpu.memory_space<hbm>>)
      %scan3A_184 = arith.constant 0 : i32
      %scan3A_185 = arith.constant 0 : i32
      %scan3A_186 = arith.constant 256 : i32
      %scan3A_187 = arith.addi %scan3A_185, %scan3A_186 : i32
      %scan3A_188 = arith.constant 1 : i32
      scf.for %scan3A_456 = %scan3A_185 to %scan3A_187 step %scan3A_188  : i32 {
        %mul3A_457 = arith.constant 16 : i32
        %mul3A_458 = arith.muli %scan3A_456, %mul3A_457 : i32
        %get3A = arith.constant 0 : i32
        %get3A_459 = arith.index_cast %get3A : i32 to index
        %get3A_460 = arith.index_cast %mul3A_458 : i32 to index
        %get3A_461 = tpu.vector_load %arg7[%get3A_459, %get3A_460] {strides = array<i32>} : memref<4x4096xf32, #tpu.memory_space<vmem>>, vector<1x16xf32>,
        %get3A_462 = vector.shape_cast %get3A_461 : vector<1x16xf32> to vector<16xf32>
        %mul3A_463 = arith.constant 6.400000e+01 : f32
        %mul3A_464 = vector.broadcast %mul3A_463 : f32 to vector<16xf32>
        %mul3A_465 = arith.mulf %get3A_462, %mul3A_464 : vector<16xf32>
        %get3A_466 = arith.constant 0 : i32
        %get3A_467 = arith.index_cast %get3A_466 : i32 to index
        %get3A_468 = arith.index_cast %mul3A_458 : i32 to index
        %get3A_469 = tpu.vector_load %arg11[%get3A_467, %get3A_468] {strides = array<i32>} : memref<4x4096xf32, #tpu.memory_space<vmem>>, vector<1x16xf32>,
        %get3A_470 = vector.shape_cast %get3A_469 : vector<1x16xf32> to vector<16xf32>
        %add3A_471 = arith.addf %mul3A_465, %get3A_470 : vector<16xf32>
        %swap3A = arith.constant 0 : i32
        %swap3A_472 = arith.index_cast %swap3A : i32 to index
        %swap3A_473 = arith.index_cast %mul3A_458 : i32 to index
        %swap3A_474 = tpu.vector_load %arg9[%swap3A_472, %swap3A_473] {strides = array<i32>} : memref<4x4096xf32, #tpu.memory_space<vmem>>, vector<1x16xf32>,
        %swap3A_475 = vector.shape_cast %swap3A_474 : vector<1x16xf32> to vector<16xf32>
        %swap3A_476 = vector.shape_cast %add3A_471 : vector<16xf32> to vector<1x16xf32>
        tpu.vector_store %arg9[%swap3A_472, %swap3A_473], %swap3A_476 {strides = array<i32>} : memref<4x4096xf32, #tpu.memory_space<vmem>>, vector<1x16xf32>,
        %get3A_477 = arith.constant 1 : i32
        %get3A_478 = arith.index_cast %get3A_477 : i32 to index
        %get3A_479 = arith.index_cast %mul3A_458 : i32 to index
        %get3A_480 = tpu.vector_load %arg7[%get3A_478, %get3A_479] {strides = array<i32>} : memref<4x4096xf32, #tpu.memory_space<vmem>>, vector<1x16xf32>,
        %get3A_481 = vector.shape_cast %get3A_480 : vector<1x16xf32> to vector<16xf32>
        %mul3A_482 = arith.constant 6.400000e+01 : f32
        %mul3A_483 = vector.broadcast %mul3A_482 : f32 to vector<16xf32>
        %mul3A_484 = arith.mulf %get3A_481, %mul3A_483 : vector<16xf32>
        %get3A_485 = arith.constant 1 : i32
        %get3A_486 = arith.index_cast %get3A_485 : i32 to index
        %get3A_487 = arith.index_cast %mul3A_458 : i32 to index
        %get3A_488 = tpu.vector_load %arg11[%get3A_486, %get3A_487] {strides = array<i32>} : memref<4x4096xf32, #tpu.memory_space<vmem>>, vector<1x16xf32>,
        %get3A_489 = vector.shape_cast %get3A_488 : vector<1x16xf32> to vector<16xf32>
        %add3A_490 = arith.addf %mul3A_484, %get3A_489 : vector<16xf32>
        %swap3A_491 = arith.constant 1 : i32
        %swap3A_492 = arith.index_cast %swap3A_491 : i32 to index
        %swap3A_493 = arith.index_cast %mul3A_458 : i32 to index
        %swap3A_494 = tpu.vector_load %arg9[%swap3A_492, %swap3A_493] {strides = array<i32>} : memref<4x4096xf32, #tpu.memory_space<vmem>>, vector<1x16xf32>,
        %swap3A_495 = vector.shape_cast %swap3A_494 : vector<1x16xf32> to vector<16xf32>
        %swap3A_496 = vector.shape_cast %add3A_490 : vector<16xf32> to vector<1x16xf32>
        tpu.vector_store %arg9[%swap3A_492, %swap3A_493], %swap3A_496 {strides = array<i32>} : memref<4x4096xf32, #tpu.memory_space<vmem>>, vector<1x16xf32>,
        %get3A_497 = arith.constant 2 : i32
        %get3A_498 = arith.index_cast %get3A_497 : i32 to index
        %get3A_499 = arith.index_cast %mul3A_458 : i32 to index
        %get3A_500 = tpu.vector_load %arg7[%get3A_498, %get3A_499] {strides = array<i32>} : memref<4x4096xf32, #tpu.memory_space<vmem>>, vector<1x16xf32>,
        %get3A_501 = vector.shape_cast %get3A_500 : vector<1x16xf32> to vector<16xf32>
        %mul3A_502 = arith.constant 6.400000e+01 : f32
        %mul3A_503 = vector.broadcast %mul3A_502 : f32 to vector<16xf32>
        %mul3A_504 = arith.mulf %get3A_501, %mul3A_503 : vector<16xf32>
        %get3A_505 = arith.constant 2 : i32
        %get3A_506 = arith.index_cast %get3A_505 : i32 to index
        %get3A_507 = arith.index_cast %mul3A_458 : i32 to index
        %get3A_508 = tpu.vector_load %arg11[%get3A_506, %get3A_507] {strides = array<i32>} : memref<4x4096xf32, #tpu.memory_space<vmem>>, vector<1x16xf32>,
        %get3A_509 = vector.shape_cast %get3A_508 : vector<1x16xf32> to vector<16xf32>
        %add3A_510 = arith.addf %mul3A_504, %get3A_509 : vector<16xf32>
        %swap3A_511 = arith.constant 2 : i32
        %swap3A_512 = arith.index_cast %swap3A_511 : i32 to index
        %swap3A_513 = arith.index_cast %mul3A_458 : i32 to index
        %swap3A_514 = tpu.vector_load %arg9[%swap3A_512, %swap3A_513] {strides = array<i32>} : memref<4x4096xf32, #tpu.memory_space<vmem>>, vector<1x16xf32>,
        %swap3A_515 = vector.shape_cast %swap3A_514 : vector<1x16xf32> to vector<16xf32>
        %swap3A_516 = vector.shape_cast %add3A_510 : vector<16xf32> to vector<1x16xf32>
        tpu.vector_store %arg9[%swap3A_512, %swap3A_513], %swap3A_516 {strides = array<i32>} : memref<4x4096xf32, #tpu.memory_space<vmem>>, vector<1x16xf32>,
        %get3A_517 = arith.constant 3 : i32
        %get3A_518 = arith.index_cast %get3A_517 : i32 to index
        %get3A_519 = arith.index_cast %mul3A_458 : i32 to index
        %get3A_520 = tpu.vector_load %arg7[%get3A_518, %get3A_519] {strides = array<i32>} : memref<4x4096xf32, #tpu.memory_space<vmem>>, vector<1x16xf32>,
        %get3A_521 = vector.shape_cast %get3A_520 : vector<1x16xf32> to vector<16xf32>
        %mul3A_522 = arith.constant 6.400000e+01 : f32
        %mul3A_523 = vector.broadcast %mul3A_522 : f32 to vector<16xf32>
        %mul3A_524 = arith.mulf %get3A_521, %mul3A_523 : vector<16xf32>
        %get3A_525 = arith.constant 3 : i32
        %get3A_526 = arith.index_cast %get3A_525 : i32 to index
        %get3A_527 = arith.index_cast %mul3A_458 : i32 to index
        %get3A_528 = tpu.vector_load %arg11[%get3A_526, %get3A_527] {strides = array<i32>} : memref<4x4096xf32, #tpu.memory_space<vmem>>, vector<1x16xf32>,
        %get3A_529 = vector.shape_cast %get3A_528 : vector<1x16xf32> to vector<16xf32>
        %add3A_530 = arith.addf %mul3A_524, %get3A_529 : vector<16xf32>
        %swap3A_531 = arith.constant 3 : i32
        %swap3A_532 = arith.index_cast %swap3A_531 : i32 to index
        %swap3A_533 = arith.index_cast %mul3A_458 : i32 to index
        %swap3A_534 = tpu.vector_load %arg9[%swap3A_532, %swap3A_533] {strides = array<i32>} : memref<4x4096xf32, #tpu.memory_space<vmem>>, vector<1x16xf32>,
        %swap3A_535 = vector.shape_cast %swap3A_534 : vector<1x16xf32> to vector<16xf32>
        %swap3A_536 = vector.shape_cast %add3A_530 : vector<16xf32> to vector<1x16xf32>
        tpu.vector_store %arg9[%swap3A_532, %swap3A_533], %swap3A_536 {strides = array<i32>} : memref<4x4096xf32, #tpu.memory_space<vmem>>, vector<1x16xf32>,
      }
      %scan3A_189 = arith.constant 256 : i32
      %mul3A_190 = arith.constant 4 : i32
      %mul3A_191 = arith.muli %add3A_87, %mul3A_190 : i32
      %add3A_192 = arith.addi %mul3A_2, %mul3A_191 : i32
      %dma_start3A_193 = arith.constant 2 : i32
      %dma_start3A_194 = arith.constant 0 : i32
      %dma_start3A_195 = tpu.memref_slice %arg5[%dma_start3A_193, %add3A_192, %dma_start3A_194] : memref<4x4096x4096xf32, #tpu.memory_space<hbm>> -> memref<1x4x4096xf32, #tpu.memory_space<hbm>>
      %dma_start3A_196 = tpu.memref_squeeze %dma_start3A_195 : memref<1x4x4096xf32, #tpu.memory_space<hbm>> -> memref<4x4096xf32, #tpu.memory_space<hbm>>
      %dma_start3A_197 = arith.constant 0 : i32
      %dma_start3A_198 = tpu.memref_slice %arg5[%dma_start3A_193, %add3A_192, %dma_start3A_197] : memref<4x4096x4096xf32, #tpu.memory_space<hbm>> -> memref<1x4x4096xf32, #tpu.memory_space<hbm>>
      %dma_start3A_199 = tpu.memref_squeeze %dma_start3A_198 : memref<1x4x4096xf32, #tpu.memory_space<hbm>> -> memref<4x4096xf32, #tpu.memory_space<hbm>>
      tpu.enqueue_dma source(%arg9 : memref<4x4096xf32, #tpu.memory_space<vmem>>) target(%dma_start3A_199 : memref<4x4096xf32, #tpu.memory_space<hbm>>) target_semaphore(%arg15 : memref<!tpu.dma_semaphore, #tpu.memory_space<semaphore_mem>>)
      %add3A_200 = arith.constant 1 : i32
      %add3A_201 = arith.addi %add3A_87, %add3A_200 : i32
      %min3A = arith.constant 31 : i32
      %min3A_202 = arith.minsi %add3A_201, %min3A : i32
      %mul3A_203 = arith.constant 4 : i32
      %mul3A_204 = arith.muli %min3A_202, %mul3A_203 : i32
      %dma_start3A_205 = arith.constant 0 : i32
      %dma_start3A_206 = tpu.memref_slice %arg6[%dma_start3A_205, %mul3A_204] : memref<4x128xi32, #tpu.memory_space<vmem>> -> memref<1x4xi32, #tpu.memory_space<vmem>>
      %dma_start3A_207 = tpu.memref_squeeze %dma_start3A_206 : memref<1x4xi32, #tpu.memory_space<vmem>> -> memref<4xi32, #tpu.memory_space<vmem>>
      %dma_start3A_208 = arith.constant 0 : i32
      %dma_start3A_209 = arith.constant 0 : i32
      %dma_start3A_210 = tpu.memref_slice %arg3[%dma_start3A_208, %dma_start3A_209] : memref<100000x4096xf32, #tpu.memory_space<hbm>> -> memref<100000x4096xf32, #tpu.memory_space<hbm>>
      tpu.enqueue_indirect_dma source(%dma_start3A_210 : memref<100000x4096xf32, #tpu.memory_space<hbm>>) target(%arg7 : memref<4x4096xf32, #tpu.memory_space<vmem>>) offsets(%dma_start3A_207 : memref<4xi32, #tpu.memory_space<vmem>>) semaphore(%arg13 : memref<!tpu.dma_semaphore, #tpu.memory_space<semaphore_mem>>)
      %mul3A_211 = arith.constant 4 : i32
      %mul3A_212 = arith.muli %add3A_87, %mul3A_211 : i32
      %dma_wait3A_213 = arith.constant 3 : i32
      %dma_wait3A_214 = tpu.memref_slice %arg6[%dma_wait3A_213, %mul3A_212] : memref<4x128xi32, #tpu.memory_space<vmem>> -> memref<1x4xi32, #tpu.memory_space<vmem>>
      %dma_wait3A_215 = tpu.memref_squeeze %dma_wait3A_214 : memref<1x4xi32, #tpu.memory_space<vmem>> -> memref<4xi32, #tpu.memory_space<vmem>>
      %dma_wait3A_216 = arith.constant 0 : i32
      %dma_wait3A_217 = arith.constant 0 : i32
      %dma_wait3A_218 = tpu.memref_slice %arg3[%dma_wait3A_216, %dma_wait3A_217] : memref<100000x4096xf32, #tpu.memory_space<hbm>> -> memref<100000x4096xf32, #tpu.memory_space<hbm>>
      tpu.wait_indirect_dma semaphore(%arg14 : memref<!tpu.dma_semaphore, #tpu.memory_space<semaphore_mem>>) src(%dma_wait3A_218 : memref<100000x4096xf32, #tpu.memory_space<hbm>>) dst(%arg8 : memref<4x4096xf32, #tpu.memory_space<vmem>>)
      %mul3A_219 = arith.constant 4 : i32
      %mul3A_220 = arith.muli %add3A_87, %mul3A_219 : i32
      %add3A_221 = arith.addi %mul3A_2, %mul3A_220 : i32
      %dma_wait3A_222 = arith.constant 3 : i32
      %dma_wait3A_223 = arith.constant 0 : i32
      %dma_wait3A_224 = tpu.memref_slice %arg5[%dma_wait3A_222, %add3A_221, %dma_wait3A_223] : memref<4x4096x4096xf32, #tpu.memory_space<hbm>> -> memref<1x4x4096xf32, #tpu.memory_space<hbm>>
      %dma_wait3A_225 = tpu.memref_squeeze %dma_wait3A_224 : memref<1x4x4096xf32, #tpu.memory_space<hbm>> -> memref<4x4096xf32, #tpu.memory_space<hbm>>
      %dma_wait3A_226 = arith.constant 0 : i32
      %dma_wait3A_227 = tpu.memref_slice %arg5[%dma_wait3A_222, %add3A_221, %dma_wait3A_226] : memref<4x4096x4096xf32, #tpu.memory_space<hbm>> -> memref<1x4x4096xf32, #tpu.memory_space<hbm>>
      %dma_wait3A_228 = tpu.memref_squeeze %dma_wait3A_227 : memref<1x4x4096xf32, #tpu.memory_space<hbm>> -> memref<4x4096xf32, #tpu.memory_space<hbm>>
      tpu.wait_dma2 semaphore(%arg16 : memref<!tpu.dma_semaphore, #tpu.memory_space<semaphore_mem>>) src(%arg10 : memref<4x4096xf32, #tpu.memory_space<vmem>>) dst(%dma_wait3A_228 : memref<4x4096xf32, #tpu.memory_space<hbm>>)
      %scan3A_229 = arith.constant 0 : i32
      %scan3A_230 = arith.constant 0 : i32
      %scan3A_231 = arith.constant 256 : i32
      %scan3A_232 = arith.addi %scan3A_230, %scan3A_231 : i32
      %scan3A_233 = arith.constant 1 : i32
      scf.for %scan3A_456 = %scan3A_230 to %scan3A_232 step %scan3A_233  : i32 {
        %mul3A_457 = arith.constant 16 : i32
        %mul3A_458 = arith.muli %scan3A_456, %mul3A_457 : i32
        %get3A = arith.constant 0 : i32
        %get3A_459 = arith.index_cast %get3A : i32 to index
        %get3A_460 = arith.index_cast %mul3A_458 : i32 to index
        %get3A_461 = tpu.vector_load %arg8[%get3A_459, %get3A_460] {strides = array<i32>} : memref<4x4096xf32, #tpu.memory_space<vmem>>, vector<1x16xf32>,
        %get3A_462 = vector.shape_cast %get3A_461 : vector<1x16xf32> to vector<16xf32>
        %mul3A_463 = arith.constant 6.400000e+01 : f32
        %mul3A_464 = vector.broadcast %mul3A_463 : f32 to vector<16xf32>
        %mul3A_465 = arith.mulf %get3A_462, %mul3A_464 : vector<16xf32>
        %get3A_466 = arith.constant 0 : i32
        %get3A_467 = arith.index_cast %get3A_466 : i32 to index
        %get3A_468 = arith.index_cast %mul3A_458 : i32 to index
        %get3A_469 = tpu.vector_load %arg11[%get3A_467, %get3A_468] {strides = array<i32>} : memref<4x4096xf32, #tpu.memory_space<vmem>>, vector<1x16xf32>,
        %get3A_470 = vector.shape_cast %get3A_469 : vector<1x16xf32> to vector<16xf32>
        %add3A_471 = arith.addf %mul3A_465, %get3A_470 : vector<16xf32>
        %swap3A = arith.constant 0 : i32
        %swap3A_472 = arith.index_cast %swap3A : i32 to index
        %swap3A_473 = arith.index_cast %mul3A_458 : i32 to index
        %swap3A_474 = tpu.vector_load %arg10[%swap3A_472, %swap3A_473] {strides = array<i32>} : memref<4x4096xf32, #tpu.memory_space<vmem>>, vector<1x16xf32>,
        %swap3A_475 = vector.shape_cast %swap3A_474 : vector<1x16xf32> to vector<16xf32>
        %swap3A_476 = vector.shape_cast %add3A_471 : vector<16xf32> to vector<1x16xf32>
        tpu.vector_store %arg10[%swap3A_472, %swap3A_473], %swap3A_476 {strides = array<i32>} : memref<4x4096xf32, #tpu.memory_space<vmem>>, vector<1x16xf32>,
        %get3A_477 = arith.constant 1 : i32
        %get3A_478 = arith.index_cast %get3A_477 : i32 to index
        %get3A_479 = arith.index_cast %mul3A_458 : i32 to index
        %get3A_480 = tpu.vector_load %arg8[%get3A_478, %get3A_479] {strides = array<i32>} : memref<4x4096xf32, #tpu.memory_space<vmem>>, vector<1x16xf32>,
        %get3A_481 = vector.shape_cast %get3A_480 : vector<1x16xf32> to vector<16xf32>
        %mul3A_482 = arith.constant 6.400000e+01 : f32
        %mul3A_483 = vector.broadcast %mul3A_482 : f32 to vector<16xf32>
        %mul3A_484 = arith.mulf %get3A_481, %mul3A_483 : vector<16xf32>
        %get3A_485 = arith.constant 1 : i32
        %get3A_486 = arith.index_cast %get3A_485 : i32 to index
        %get3A_487 = arith.index_cast %mul3A_458 : i32 to index
        %get3A_488 = tpu.vector_load %arg11[%get3A_486, %get3A_487] {strides = array<i32>} : memref<4x4096xf32, #tpu.memory_space<vmem>>, vector<1x16xf32>,
        %get3A_489 = vector.shape_cast %get3A_488 : vector<1x16xf32> to vector<16xf32>
        %add3A_490 = arith.addf %mul3A_484, %get3A_489 : vector<16xf32>
        %swap3A_491 = arith.constant 1 : i32
        %swap3A_492 = arith.index_cast %swap3A_491 : i32 to index
        %swap3A_493 = arith.index_cast %mul3A_458 : i32 to index
        %swap3A_494 = tpu.vector_load %arg10[%swap3A_492, %swap3A_493] {strides = array<i32>} : memref<4x4096xf32, #tpu.memory_space<vmem>>, vector<1x16xf32>,
        %swap3A_495 = vector.shape_cast %swap3A_494 : vector<1x16xf32> to vector<16xf32>
        %swap3A_496 = vector.shape_cast %add3A_490 : vector<16xf32> to vector<1x16xf32>
        tpu.vector_store %arg10[%swap3A_492, %swap3A_493], %swap3A_496 {strides = array<i32>} : memref<4x4096xf32, #tpu.memory_space<vmem>>, vector<1x16xf32>,
        %get3A_497 = arith.constant 2 : i32
        %get3A_498 = arith.index_cast %get3A_497 : i32 to index
        %get3A_499 = arith.index_cast %mul3A_458 : i32 to index
        %get3A_500 = tpu.vector_load %arg8[%get3A_498, %get3A_499] {strides = array<i32>} : memref<4x4096xf32, #tpu.memory_space<vmem>>, vector<1x16xf32>,
        %get3A_501 = vector.shape_cast %get3A_500 : vector<1x16xf32> to vector<16xf32>
        %mul3A_502 = arith.constant 6.400000e+01 : f32
        %mul3A_503 = vector.broadcast %mul3A_502 : f32 to vector<16xf32>
        %mul3A_504 = arith.mulf %get3A_501, %mul3A_503 : vector<16xf32>
        %get3A_505 = arith.constant 2 : i32
        %get3A_506 = arith.index_cast %get3A_505 : i32 to index
        %get3A_507 = arith.index_cast %mul3A_458 : i32 to index
        %get3A_508 = tpu.vector_load %arg11[%get3A_506, %get3A_507] {strides = array<i32>} : memref<4x4096xf32, #tpu.memory_space<vmem>>, vector<1x16xf32>,
        %get3A_509 = vector.shape_cast %get3A_508 : vector<1x16xf32> to vector<16xf32>
        %add3A_510 = arith.addf %mul3A_504, %get3A_509 : vector<16xf32>
        %swap3A_511 = arith.constant 2 : i32
        %swap3A_512 = arith.index_cast %swap3A_511 : i32 to index
        %swap3A_513 = arith.index_cast %mul3A_458 : i32 to index
        %swap3A_514 = tpu.vector_load %arg10[%swap3A_512, %swap3A_513] {strides = array<i32>} : memref<4x4096xf32, #tpu.memory_space<vmem>>, vector<1x16xf32>,
        %swap3A_515 = vector.shape_cast %swap3A_514 : vector<1x16xf32> to vector<16xf32>
        %swap3A_516 = vector.shape_cast %add3A_510 : vector<16xf32> to vector<1x16xf32>
        tpu.vector_store %arg10[%swap3A_512, %swap3A_513], %swap3A_516 {strides = array<i32>} : memref<4x4096xf32, #tpu.memory_space<vmem>>, vector<1x16xf32>,
        %get3A_517 = arith.constant 3 : i32
        %get3A_518 = arith.index_cast %get3A_517 : i32 to index
        %get3A_519 = arith.index_cast %mul3A_458 : i32 to index
        %get3A_520 = tpu.vector_load %arg8[%get3A_518, %get3A_519] {strides = array<i32>} : memref<4x4096xf32, #tpu.memory_space<vmem>>, vector<1x16xf32>,
        %get3A_521 = vector.shape_cast %get3A_520 : vector<1x16xf32> to vector<16xf32>
        %mul3A_522 = arith.constant 6.400000e+01 : f32
        %mul3A_523 = vector.broadcast %mul3A_522 : f32 to vector<16xf32>
        %mul3A_524 = arith.mulf %get3A_521, %mul3A_523 : vector<16xf32>
        %get3A_525 = arith.constant 3 : i32
        %get3A_526 = arith.index_cast %get3A_525 : i32 to index
        %get3A_527 = arith.index_cast %mul3A_458 : i32 to index
        %get3A_528 = tpu.vector_load %arg11[%get3A_526, %get3A_527] {strides = array<i32>} : memref<4x4096xf32, #tpu.memory_space<vmem>>, vector<1x16xf32>,
        %get3A_529 = vector.shape_cast %get3A_528 : vector<1x16xf32> to vector<16xf32>
        %add3A_530 = arith.addf %mul3A_524, %get3A_529 : vector<16xf32>
        %swap3A_531 = arith.constant 3 : i32
        %swap3A_532 = arith.index_cast %swap3A_531 : i32 to index
        %swap3A_533 = arith.index_cast %mul3A_458 : i32 to index
        %swap3A_534 = tpu.vector_load %arg10[%swap3A_532, %swap3A_533] {strides = array<i32>} : memref<4x4096xf32, #tpu.memory_space<vmem>>, vector<1x16xf32>,
        %swap3A_535 = vector.shape_cast %swap3A_534 : vector<1x16xf32> to vector<16xf32>
        %swap3A_536 = vector.shape_cast %add3A_530 : vector<16xf32> to vector<1x16xf32>
        tpu.vector_store %arg10[%swap3A_532, %swap3A_533], %swap3A_536 {strides = array<i32>} : memref<4x4096xf32, #tpu.memory_space<vmem>>, vector<1x16xf32>,
      }
      %scan3A_234 = arith.constant 256 : i32
      %mul3A_235 = arith.constant 4 : i32
      %mul3A_236 = arith.muli %add3A_87, %mul3A_235 : i32
      %add3A_237 = arith.addi %mul3A_2, %mul3A_236 : i32
      %dma_start3A_238 = arith.constant 3 : i32
      %dma_start3A_239 = arith.constant 0 : i32
      %dma_start3A_240 = tpu.memref_slice %arg5[%dma_start3A_238, %add3A_237, %dma_start3A_239] : memref<4x4096x4096xf32, #tpu.memory_space<hbm>> -> memref<1x4x4096xf32, #tpu.memory_space<hbm>>
      %dma_start3A_241 = tpu.memref_squeeze %dma_start3A_240 : memref<1x4x4096xf32, #tpu.memory_space<hbm>> -> memref<4x4096xf32, #tpu.memory_space<hbm>>
      %dma_start3A_242 = arith.constant 0 : i32
      %dma_start3A_243 = tpu.memref_slice %arg5[%dma_start3A_238, %add3A_237, %dma_start3A_242] : memref<4x4096x4096xf32, #tpu.memory_space<hbm>> -> memref<1x4x4096xf32, #tpu.memory_space<hbm>>
      %dma_start3A_244 = tpu.memref_squeeze %dma_start3A_243 : memref<1x4x4096xf32, #tpu.memory_space<hbm>> -> memref<4x4096xf32, #tpu.memory_space<hbm>>
      tpu.enqueue_dma source(%arg10 : memref<4x4096xf32, #tpu.memory_space<vmem>>) target(%dma_start3A_244 : memref<4x4096xf32, #tpu.memory_space<hbm>>) target_semaphore(%arg16 : memref<!tpu.dma_semaphore, #tpu.memory_space<semaphore_mem>>)
      %add3A_245 = arith.constant 1 : i32
      %add3A_246 = arith.addi %add3A_87, %add3A_245 : i32
      %min3A_247 = arith.constant 31 : i32
      %min3A_248 = arith.minsi %add3A_246, %min3A_247 : i32
      %mul3A_249 = arith.constant 4 : i32
      %mul3A_250 = arith.muli %min3A_248, %mul3A_249 : i32
      %dma_start3A_251 = arith.constant 1 : i32
      %dma_start3A_252 = tpu.memref_slice %arg6[%dma_start3A_251, %mul3A_250] : memref<4x128xi32, #tpu.memory_space<vmem>> -> memref<1x4xi32, #tpu.memory_space<vmem>>
      %dma_start3A_253 = tpu.memref_squeeze %dma_start3A_252 : memref<1x4xi32, #tpu.memory_space<vmem>> -> memref<4xi32, #tpu.memory_space<vmem>>
      %dma_start3A_254 = arith.constant 0 : i32
      %dma_start3A_255 = arith.constant 0 : i32
      %dma_start3A_256 = tpu.memref_slice %arg3[%dma_start3A_254, %dma_start3A_255] : memref<100000x4096xf32, #tpu.memory_space<hbm>> -> memref<100000x4096xf32, #tpu.memory_space<hbm>>
      tpu.enqueue_indirect_dma source(%dma_start3A_256 : memref<100000x4096xf32, #tpu.memory_space<hbm>>) target(%arg8 : memref<4x4096xf32, #tpu.memory_space<vmem>>) offsets(%dma_start3A_253 : memref<4xi32, #tpu.memory_space<vmem>>) semaphore(%arg14 : memref<!tpu.dma_semaphore, #tpu.memory_space<semaphore_mem>>)
      %add3A_257 = arith.constant 2 : i32
      %add3A_258 = arith.addi %add3A_87, %add3A_257 : i32
      %min3A_259 = arith.constant 31 : i32
      %min3A_260 = arith.minsi %add3A_258, %min3A_259 : i32
      %mul3A_261 = arith.constant 4 : i32
      %mul3A_262 = arith.muli %min3A_260, %mul3A_261 : i32
      %add3A_263 = arith.addi %mul3A_2, %mul3A_262 : i32
      %dma_start3A_264 = arith.constant 0 : i32
      %dma_start3A_265 = tpu.memref_slice %arg4[%add3A_263, %dma_start3A_264] : memref<8192x4096xf32, #tpu.memory_space<hbm>> -> memref<4x4096xf32, #tpu.memory_space<hbm>>
      %dma_start3A_266 = arith.constant 0 : i32
      %dma_start3A_267 = tpu.memref_slice %arg4[%add3A_263, %dma_start3A_266] : memref<8192x4096xf32, #tpu.memory_space<hbm>> -> memref<4x4096xf32, #tpu.memory_space<hbm>>
      tpu.enqueue_dma source(%dma_start3A_267 : memref<4x4096xf32, #tpu.memory_space<hbm>>) target(%arg11 : memref<4x4096xf32, #tpu.memory_space<vmem>>) target_semaphore(%arg17 : memref<!tpu.dma_semaphore, #tpu.memory_space<semaphore_mem>>)
      %mul3A_268 = arith.constant 2 : i32
      %mul3A_269 = arith.muli %mul3A_268, %scan3A_83 : i32
      %add3A_270 = arith.constant 1 : i32
      %add3A_271 = arith.addi %mul3A_269, %add3A_270 : i32
      %mul3A_272 = arith.constant 4 : i32
      %mul3A_273 = arith.muli %add3A_271, %mul3A_272 : i32
      %dma_wait3A_274 = arith.constant 0 : i32
      %dma_wait3A_275 = tpu.memref_slice %arg6[%dma_wait3A_274, %mul3A_273] : memref<4x128xi32, #tpu.memory_space<vmem>> -> memref<1x4xi32, #tpu.memory_space<vmem>>
      %dma_wait3A_276 = tpu.memref_squeeze %dma_wait3A_275 : memref<1x4xi32, #tpu.memory_space<vmem>> -> memref<4xi32, #tpu.memory_space<vmem>>
      %dma_wait3A_277 = arith.constant 0 : i32
      %dma_wait3A_278 = arith.constant 0 : i32
      %dma_wait3A_279 = tpu.memref_slice %arg3[%dma_wait3A_277, %dma_wait3A_278] : memref<100000x4096xf32, #tpu.memory_space<hbm>> -> memref<100000x4096xf32, #tpu.memory_space<hbm>>
      tpu.wait_indirect_dma semaphore(%arg13 : memref<!tpu.dma_semaphore, #tpu.memory_space<semaphore_mem>>) src(%dma_wait3A_279 : memref<100000x4096xf32, #tpu.memory_space<hbm>>) dst(%arg7 : memref<4x4096xf32, #tpu.memory_space<vmem>>)
      %mul3A_280 = arith.constant 4 : i32
      %mul3A_281 = arith.muli %add3A_271, %mul3A_280 : i32
      %add3A_282 = arith.addi %mul3A_2, %mul3A_281 : i32
      %dma_wait3A_283 = arith.constant 0 : i32
      %dma_wait3A_284 = tpu.memref_slice %arg4[%add3A_282, %dma_wait3A_283] : memref<8192x4096xf32, #tpu.memory_space<hbm>> -> memref<4x4096xf32, #tpu.memory_space<hbm>>
      %dma_wait3A_285 = arith.constant 0 : i32
      %dma_wait3A_286 = tpu.memref_slice %arg4[%add3A_282, %dma_wait3A_285] : memref<8192x4096xf32, #tpu.memory_space<hbm>> -> memref<4x4096xf32, #tpu.memory_space<hbm>>
      tpu.wait_dma2 semaphore(%arg18 : memref<!tpu.dma_semaphore, #tpu.memory_space<semaphore_mem>>) src(%dma_wait3A_286 : memref<4x4096xf32, #tpu.memory_space<hbm>>) dst(%arg12 : memref<4x4096xf32, #tpu.memory_space<vmem>>)
      %gt3A_287 = arith.constant 0 : i32
      %gt3A_288 = arith.cmpi sgt, %add3A_271, %gt3A_287 : i32
      %convert_element_type3A_289 = arith.extui %gt3A_288 : i1 to i32
      %cond3A_290 = arith.constant 0 : i32
      %cond3A_291 = arith.cmpi ne, %convert_element_type3A_289, %cond3A_290 : i32
      scf.if %cond3A_291 {
        %mul3A_456 = arith.constant 4 : i32
        %mul3A_457 = arith.muli %add3A_271, %mul3A_456 : i32
        %add3A_458 = arith.addi %mul3A_2, %mul3A_457 : i32
        %dma_wait3A_459 = arith.constant 0 : i32
        %dma_wait3A_460 = arith.constant 0 : i32
        %dma_wait3A_461 = tpu.memref_slice %arg5[%dma_wait3A_459, %add3A_458, %dma_wait3A_460] : memref<4x4096x4096xf32, #tpu.memory_space<hbm>> -> memref<1x4x4096xf32, #tpu.memory_space<hbm>>
        %dma_wait3A_462 = tpu.memref_squeeze %dma_wait3A_461 : memref<1x4x4096xf32, #tpu.memory_space<hbm>> -> memref<4x4096xf32, #tpu.memory_space<hbm>>
        %dma_wait3A_463 = arith.constant 0 : i32
        %dma_wait3A_464 = tpu.memref_slice %arg5[%dma_wait3A_459, %add3A_458, %dma_wait3A_463] : memref<4x4096x4096xf32, #tpu.memory_space<hbm>> -> memref<1x4x4096xf32, #tpu.memory_space<hbm>>
        %dma_wait3A_465 = tpu.memref_squeeze %dma_wait3A_464 : memref<1x4x4096xf32, #tpu.memory_space<hbm>> -> memref<4x4096xf32, #tpu.memory_space<hbm>>
        tpu.wait_dma2 semaphore(%arg15 : memref<!tpu.dma_semaphore, #tpu.memory_space<semaphore_mem>>) src(%arg9 : memref<4x4096xf32, #tpu.memory_space<vmem>>) dst(%dma_wait3A_465 : memref<4x4096xf32, #tpu.memory_space<hbm>>)
      } else {
      }
      %scan3A_292 = arith.constant 0 : i32
      %scan3A_293 = arith.constant 0 : i32
      %scan3A_294 = arith.constant 256 : i32
      %scan3A_295 = arith.addi %scan3A_293, %scan3A_294 : i32
      %scan3A_296 = arith.constant 1 : i32
      scf.for %scan3A_456 = %scan3A_293 to %scan3A_295 step %scan3A_296  : i32 {
        %mul3A_457 = arith.constant 16 : i32
        %mul3A_458 = arith.muli %scan3A_456, %mul3A_457 : i32
        %get3A = arith.constant 0 : i32
        %get3A_459 = arith.index_cast %get3A : i32 to index
        %get3A_460 = arith.index_cast %mul3A_458 : i32 to index
        %get3A_461 = tpu.vector_load %arg7[%get3A_459, %get3A_460] {strides = array<i32>} : memref<4x4096xf32, #tpu.memory_space<vmem>>, vector<1x16xf32>,
        %get3A_462 = vector.shape_cast %get3A_461 : vector<1x16xf32> to vector<16xf32>
        %mul3A_463 = arith.constant 6.400000e+01 : f32
        %mul3A_464 = vector.broadcast %mul3A_463 : f32 to vector<16xf32>
        %mul3A_465 = arith.mulf %get3A_462, %mul3A_464 : vector<16xf32>
        %get3A_466 = arith.constant 0 : i32
        %get3A_467 = arith.index_cast %get3A_466 : i32 to index
        %get3A_468 = arith.index_cast %mul3A_458 : i32 to index
        %get3A_469 = tpu.vector_load %arg12[%get3A_467, %get3A_468] {strides = array<i32>} : memref<4x4096xf32, #tpu.memory_space<vmem>>, vector<1x16xf32>,
        %get3A_470 = vector.shape_cast %get3A_469 : vector<1x16xf32> to vector<16xf32>
        %add3A_471 = arith.addf %mul3A_465, %get3A_470 : vector<16xf32>
        %swap3A = arith.constant 0 : i32
        %swap3A_472 = arith.index_cast %swap3A : i32 to index
        %swap3A_473 = arith.index_cast %mul3A_458 : i32 to index
        %swap3A_474 = tpu.vector_load %arg9[%swap3A_472, %swap3A_473] {strides = array<i32>} : memref<4x4096xf32, #tpu.memory_space<vmem>>, vector<1x16xf32>,
        %swap3A_475 = vector.shape_cast %swap3A_474 : vector<1x16xf32> to vector<16xf32>
        %swap3A_476 = vector.shape_cast %add3A_471 : vector<16xf32> to vector<1x16xf32>
        tpu.vector_store %arg9[%swap3A_472, %swap3A_473], %swap3A_476 {strides = array<i32>} : memref<4x4096xf32, #tpu.memory_space<vmem>>, vector<1x16xf32>,
        %get3A_477 = arith.constant 1 : i32
        %get3A_478 = arith.index_cast %get3A_477 : i32 to index
        %get3A_479 = arith.index_cast %mul3A_458 : i32 to index
        %get3A_480 = tpu.vector_load %arg7[%get3A_478, %get3A_479] {strides = array<i32>} : memref<4x4096xf32, #tpu.memory_space<vmem>>, vector<1x16xf32>,
        %get3A_481 = vector.shape_cast %get3A_480 : vector<1x16xf32> to vector<16xf32>
        %mul3A_482 = arith.constant 6.400000e+01 : f32
        %mul3A_483 = vector.broadcast %mul3A_482 : f32 to vector<16xf32>
        %mul3A_484 = arith.mulf %get3A_481, %mul3A_483 : vector<16xf32>
        %get3A_485 = arith.constant 1 : i32
        %get3A_486 = arith.index_cast %get3A_485 : i32 to index
        %get3A_487 = arith.index_cast %mul3A_458 : i32 to index
        %get3A_488 = tpu.vector_load %arg12[%get3A_486, %get3A_487] {strides = array<i32>} : memref<4x4096xf32, #tpu.memory_space<vmem>>, vector<1x16xf32>,
        %get3A_489 = vector.shape_cast %get3A_488 : vector<1x16xf32> to vector<16xf32>
        %add3A_490 = arith.addf %mul3A_484, %get3A_489 : vector<16xf32>
        %swap3A_491 = arith.constant 1 : i32
        %swap3A_492 = arith.index_cast %swap3A_491 : i32 to index
        %swap3A_493 = arith.index_cast %mul3A_458 : i32 to index
        %swap3A_494 = tpu.vector_load %arg9[%swap3A_492, %swap3A_493] {strides = array<i32>} : memref<4x4096xf32, #tpu.memory_space<vmem>>, vector<1x16xf32>,
        %swap3A_495 = vector.shape_cast %swap3A_494 : vector<1x16xf32> to vector<16xf32>
        %swap3A_496 = vector.shape_cast %add3A_490 : vector<16xf32> to vector<1x16xf32>
        tpu.vector_store %arg9[%swap3A_492, %swap3A_493], %swap3A_496 {strides = array<i32>} : memref<4x4096xf32, #tpu.memory_space<vmem>>, vector<1x16xf32>,
        %get3A_497 = arith.constant 2 : i32
        %get3A_498 = arith.index_cast %get3A_497 : i32 to index
        %get3A_499 = arith.index_cast %mul3A_458 : i32 to index
        %get3A_500 = tpu.vector_load %arg7[%get3A_498, %get3A_499] {strides = array<i32>} : memref<4x4096xf32, #tpu.memory_space<vmem>>, vector<1x16xf32>,
        %get3A_501 = vector.shape_cast %get3A_500 : vector<1x16xf32> to vector<16xf32>
        %mul3A_502 = arith.constant 6.400000e+01 : f32
        %mul3A_503 = vector.broadcast %mul3A_502 : f32 to vector<16xf32>
        %mul3A_504 = arith.mulf %get3A_501, %mul3A_503 : vector<16xf32>
        %get3A_505 = arith.constant 2 : i32
        %get3A_506 = arith.index_cast %get3A_505 : i32 to index
        %get3A_507 = arith.index_cast %mul3A_458 : i32 to index
        %get3A_508 = tpu.vector_load %arg12[%get3A_506, %get3A_507] {strides = array<i32>} : memref<4x4096xf32, #tpu.memory_space<vmem>>, vector<1x16xf32>,
        %get3A_509 = vector.shape_cast %get3A_508 : vector<1x16xf32> to vector<16xf32>
        %add3A_510 = arith.addf %mul3A_504, %get3A_509 : vector<16xf32>
        %swap3A_511 = arith.constant 2 : i32
        %swap3A_512 = arith.index_cast %swap3A_511 : i32 to index
        %swap3A_513 = arith.index_cast %mul3A_458 : i32 to index
        %swap3A_514 = tpu.vector_load %arg9[%swap3A_512, %swap3A_513] {strides = array<i32>} : memref<4x4096xf32, #tpu.memory_space<vmem>>, vector<1x16xf32>,
        %swap3A_515 = vector.shape_cast %swap3A_514 : vector<1x16xf32> to vector<16xf32>
        %swap3A_516 = vector.shape_cast %add3A_510 : vector<16xf32> to vector<1x16xf32>
        tpu.vector_store %arg9[%swap3A_512, %swap3A_513], %swap3A_516 {strides = array<i32>} : memref<4x4096xf32, #tpu.memory_space<vmem>>, vector<1x16xf32>,
        %get3A_517 = arith.constant 3 : i32
        %get3A_518 = arith.index_cast %get3A_517 : i32 to index
        %get3A_519 = arith.index_cast %mul3A_458 : i32 to index
        %get3A_520 = tpu.vector_load %arg7[%get3A_518, %get3A_519] {strides = array<i32>} : memref<4x4096xf32, #tpu.memory_space<vmem>>, vector<1x16xf32>,
        %get3A_521 = vector.shape_cast %get3A_520 : vector<1x16xf32> to vector<16xf32>
        %mul3A_522 = arith.constant 6.400000e+01 : f32
        %mul3A_523 = vector.broadcast %mul3A_522 : f32 to vector<16xf32>
        %mul3A_524 = arith.mulf %get3A_521, %mul3A_523 : vector<16xf32>
        %get3A_525 = arith.constant 3 : i32
        %get3A_526 = arith.index_cast %get3A_525 : i32 to index
        %get3A_527 = arith.index_cast %mul3A_458 : i32 to index
        %get3A_528 = tpu.vector_load %arg12[%get3A_526, %get3A_527] {strides = array<i32>} : memref<4x4096xf32, #tpu.memory_space<vmem>>, vector<1x16xf32>,
        %get3A_529 = vector.shape_cast %get3A_528 : vector<1x16xf32> to vector<16xf32>
        %add3A_530 = arith.addf %mul3A_524, %get3A_529 : vector<16xf32>
        %swap3A_531 = arith.constant 3 : i32
        %swap3A_532 = arith.index_cast %swap3A_531 : i32 to index
        %swap3A_533 = arith.index_cast %mul3A_458 : i32 to index
        %swap3A_534 = tpu.vector_load %arg9[%swap3A_532, %swap3A_533] {strides = array<i32>} : memref<4x4096xf32, #tpu.memory_space<vmem>>, vector<1x16xf32>,
        %swap3A_535 = vector.shape_cast %swap3A_534 : vector<1x16xf32> to vector<16xf32>
        %swap3A_536 = vector.shape_cast %add3A_530 : vector<16xf32> to vector<1x16xf32>
        tpu.vector_store %arg9[%swap3A_532, %swap3A_533], %swap3A_536 {strides = array<i32>} : memref<4x4096xf32, #tpu.memory_space<vmem>>, vector<1x16xf32>,
      }
      %scan3A_297 = arith.constant 256 : i32
      %mul3A_298 = arith.constant 4 : i32
      %mul3A_299 = arith.muli %add3A_271, %mul3A_298 : i32
      %add3A_300 = arith.addi %mul3A_2, %mul3A_299 : i32
      %dma_start3A_301 = arith.constant 0 : i32
      %dma_start3A_302 = arith.constant 0 : i32
      %dma_start3A_303 = tpu.memref_slice %arg5[%dma_start3A_301, %add3A_300, %dma_start3A_302] : memref<4x4096x4096xf32, #tpu.memory_space<hbm>> -> memref<1x4x4096xf32, #tpu.memory_space<hbm>>
      %dma_start3A_304 = tpu.memref_squeeze %dma_start3A_303 : memref<1x4x4096xf32, #tpu.memory_space<hbm>> -> memref<4x4096xf32, #tpu.memory_space<hbm>>
      %dma_start3A_305 = arith.constant 0 : i32
      %dma_start3A_306 = tpu.memref_slice %arg5[%dma_start3A_301, %add3A_300, %dma_start3A_305] : memref<4x4096x4096xf32, #tpu.memory_space<hbm>> -> memref<1x4x4096xf32, #tpu.memory_space<hbm>>
      %dma_start3A_307 = tpu.memref_squeeze %dma_start3A_306 : memref<1x4x4096xf32, #tpu.memory_space<hbm>> -> memref<4x4096xf32, #tpu.memory_space<hbm>>
      tpu.enqueue_dma source(%arg9 : memref<4x4096xf32, #tpu.memory_space<vmem>>) target(%dma_start3A_307 : memref<4x4096xf32, #tpu.memory_space<hbm>>) target_semaphore(%arg15 : memref<!tpu.dma_semaphore, #tpu.memory_space<semaphore_mem>>)
      %mul3A_308 = arith.constant 4 : i32
      %mul3A_309 = arith.muli %add3A_271, %mul3A_308 : i32
      %dma_start3A_310 = arith.constant 2 : i32
      %dma_start3A_311 = tpu.memref_slice %arg6[%dma_start3A_310, %mul3A_309] : memref<4x128xi32, #tpu.memory_space<vmem>> -> memref<1x4xi32, #tpu.memory_space<vmem>>
      %dma_start3A_312 = tpu.memref_squeeze %dma_start3A_311 : memref<1x4xi32, #tpu.memory_space<vmem>> -> memref<4xi32, #tpu.memory_space<vmem>>
      %dma_start3A_313 = arith.constant 0 : i32
      %dma_start3A_314 = arith.constant 0 : i32
      %dma_start3A_315 = tpu.memref_slice %arg3[%dma_start3A_313, %dma_start3A_314] : memref<100000x4096xf32, #tpu.memory_space<hbm>> -> memref<100000x4096xf32, #tpu.memory_space<hbm>>
      tpu.enqueue_indirect_dma source(%dma_start3A_315 : memref<100000x4096xf32, #tpu.memory_space<hbm>>) target(%arg7 : memref<4x4096xf32, #tpu.memory_space<vmem>>) offsets(%dma_start3A_312 : memref<4xi32, #tpu.memory_space<vmem>>) semaphore(%arg13 : memref<!tpu.dma_semaphore, #tpu.memory_space<semaphore_mem>>)
      %mul3A_316 = arith.constant 4 : i32
      %mul3A_317 = arith.muli %add3A_271, %mul3A_316 : i32
      %dma_wait3A_318 = arith.constant 1 : i32
      %dma_wait3A_319 = tpu.memref_slice %arg6[%dma_wait3A_318, %mul3A_317] : memref<4x128xi32, #tpu.memory_space<vmem>> -> memref<1x4xi32, #tpu.memory_space<vmem>>
      %dma_wait3A_320 = tpu.memref_squeeze %dma_wait3A_319 : memref<1x4xi32, #tpu.memory_space<vmem>> -> memref<4xi32, #tpu.memory_space<vmem>>
      %dma_wait3A_321 = arith.constant 0 : i32
      %dma_wait3A_322 = arith.constant 0 : i32
      %dma_wait3A_323 = tpu.memref_slice %arg3[%dma_wait3A_321, %dma_wait3A_322] : memref<100000x4096xf32, #tpu.memory_space<hbm>> -> memref<100000x4096xf32, #tpu.memory_space<hbm>>
      tpu.wait_indirect_dma semaphore(%arg14 : memref<!tpu.dma_semaphore, #tpu.memory_space<semaphore_mem>>) src(%dma_wait3A_323 : memref<100000x4096xf32, #tpu.memory_space<hbm>>) dst(%arg8 : memref<4x4096xf32, #tpu.memory_space<vmem>>)
      %gt3A_324 = arith.constant 0 : i32
      %gt3A_325 = arith.cmpi sgt, %add3A_271, %gt3A_324 : i32
      %convert_element_type3A_326 = arith.extui %gt3A_325 : i1 to i32
      %cond3A_327 = arith.constant 0 : i32
      %cond3A_328 = arith.cmpi ne, %convert_element_type3A_326, %cond3A_327 : i32
      scf.if %cond3A_328 {
        %mul3A_456 = arith.constant 4 : i32
        %mul3A_457 = arith.muli %add3A_271, %mul3A_456 : i32
        %add3A_458 = arith.addi %mul3A_2, %mul3A_457 : i32
        %dma_wait3A_459 = arith.constant 1 : i32
        %dma_wait3A_460 = arith.constant 0 : i32
        %dma_wait3A_461 = tpu.memref_slice %arg5[%dma_wait3A_459, %add3A_458, %dma_wait3A_460] : memref<4x4096x4096xf32, #tpu.memory_space<hbm>> -> memref<1x4x4096xf32, #tpu.memory_space<hbm>>
        %dma_wait3A_462 = tpu.memref_squeeze %dma_wait3A_461 : memref<1x4x4096xf32, #tpu.memory_space<hbm>> -> memref<4x4096xf32, #tpu.memory_space<hbm>>
        %dma_wait3A_463 = arith.constant 0 : i32
        %dma_wait3A_464 = tpu.memref_slice %arg5[%dma_wait3A_459, %add3A_458, %dma_wait3A_463] : memref<4x4096x4096xf32, #tpu.memory_space<hbm>> -> memref<1x4x4096xf32, #tpu.memory_space<hbm>>
        %dma_wait3A_465 = tpu.memref_squeeze %dma_wait3A_464 : memref<1x4x4096xf32, #tpu.memory_space<hbm>> -> memref<4x4096xf32, #tpu.memory_space<hbm>>
        tpu.wait_dma2 semaphore(%arg16 : memref<!tpu.dma_semaphore, #tpu.memory_space<semaphore_mem>>) src(%arg10 : memref<4x4096xf32, #tpu.memory_space<vmem>>) dst(%dma_wait3A_465 : memref<4x4096xf32, #tpu.memory_space<hbm>>)
      } else {
      }
      %scan3A_329 = arith.constant 0 : i32
      %scan3A_330 = arith.constant 0 : i32
      %scan3A_331 = arith.constant 256 : i32
      %scan3A_332 = arith.addi %scan3A_330, %scan3A_331 : i32
      %scan3A_333 = arith.constant 1 : i32
      scf.for %scan3A_456 = %scan3A_330 to %scan3A_332 step %scan3A_333  : i32 {
        %mul3A_457 = arith.constant 16 : i32
        %mul3A_458 = arith.muli %scan3A_456, %mul3A_457 : i32
        %get3A = arith.constant 0 : i32
        %get3A_459 = arith.index_cast %get3A : i32 to index
        %get3A_460 = arith.index_cast %mul3A_458 : i32 to index
        %get3A_461 = tpu.vector_load %arg8[%get3A_459, %get3A_460] {strides = array<i32>} : memref<4x4096xf32, #tpu.memory_space<vmem>>, vector<1x16xf32>,
        %get3A_462 = vector.shape_cast %get3A_461 : vector<1x16xf32> to vector<16xf32>
        %mul3A_463 = arith.constant 6.400000e+01 : f32
        %mul3A_464 = vector.broadcast %mul3A_463 : f32 to vector<16xf32>
        %mul3A_465 = arith.mulf %get3A_462, %mul3A_464 : vector<16xf32>
        %get3A_466 = arith.constant 0 : i32
        %get3A_467 = arith.index_cast %get3A_466 : i32 to index
        %get3A_468 = arith.index_cast %mul3A_458 : i32 to index
        %get3A_469 = tpu.vector_load %arg12[%get3A_467, %get3A_468] {strides = array<i32>} : memref<4x4096xf32, #tpu.memory_space<vmem>>, vector<1x16xf32>,
        %get3A_470 = vector.shape_cast %get3A_469 : vector<1x16xf32> to vector<16xf32>
        %add3A_471 = arith.addf %mul3A_465, %get3A_470 : vector<16xf32>
        %swap3A = arith.constant 0 : i32
        %swap3A_472 = arith.index_cast %swap3A : i32 to index
        %swap3A_473 = arith.index_cast %mul3A_458 : i32 to index
        %swap3A_474 = tpu.vector_load %arg10[%swap3A_472, %swap3A_473] {strides = array<i32>} : memref<4x4096xf32, #tpu.memory_space<vmem>>, vector<1x16xf32>,
        %swap3A_475 = vector.shape_cast %swap3A_474 : vector<1x16xf32> to vector<16xf32>
        %swap3A_476 = vector.shape_cast %add3A_471 : vector<16xf32> to vector<1x16xf32>
        tpu.vector_store %arg10[%swap3A_472, %swap3A_473], %swap3A_476 {strides = array<i32>} : memref<4x4096xf32, #tpu.memory_space<vmem>>, vector<1x16xf32>,
        %get3A_477 = arith.constant 1 : i32
        %get3A_478 = arith.index_cast %get3A_477 : i32 to index
        %get3A_479 = arith.index_cast %mul3A_458 : i32 to index
        %get3A_480 = tpu.vector_load %arg8[%get3A_478, %get3A_479] {strides = array<i32>} : memref<4x4096xf32, #tpu.memory_space<vmem>>, vector<1x16xf32>,
        %get3A_481 = vector.shape_cast %get3A_480 : vector<1x16xf32> to vector<16xf32>
        %mul3A_482 = arith.constant 6.400000e+01 : f32
        %mul3A_483 = vector.broadcast %mul3A_482 : f32 to vector<16xf32>
        %mul3A_484 = arith.mulf %get3A_481, %mul3A_483 : vector<16xf32>
        %get3A_485 = arith.constant 1 : i32
        %get3A_486 = arith.index_cast %get3A_485 : i32 to index
        %get3A_487 = arith.index_cast %mul3A_458 : i32 to index
        %get3A_488 = tpu.vector_load %arg12[%get3A_486, %get3A_487] {strides = array<i32>} : memref<4x4096xf32, #tpu.memory_space<vmem>>, vector<1x16xf32>,
        %get3A_489 = vector.shape_cast %get3A_488 : vector<1x16xf32> to vector<16xf32>
        %add3A_490 = arith.addf %mul3A_484, %get3A_489 : vector<16xf32>
        %swap3A_491 = arith.constant 1 : i32
        %swap3A_492 = arith.index_cast %swap3A_491 : i32 to index
        %swap3A_493 = arith.index_cast %mul3A_458 : i32 to index
        %swap3A_494 = tpu.vector_load %arg10[%swap3A_492, %swap3A_493] {strides = array<i32>} : memref<4x4096xf32, #tpu.memory_space<vmem>>, vector<1x16xf32>,
        %swap3A_495 = vector.shape_cast %swap3A_494 : vector<1x16xf32> to vector<16xf32>
        %swap3A_496 = vector.shape_cast %add3A_490 : vector<16xf32> to vector<1x16xf32>
        tpu.vector_store %arg10[%swap3A_492, %swap3A_493], %swap3A_496 {strides = array<i32>} : memref<4x4096xf32, #tpu.memory_space<vmem>>, vector<1x16xf32>,
        %get3A_497 = arith.constant 2 : i32
        %get3A_498 = arith.index_cast %get3A_497 : i32 to index
        %get3A_499 = arith.index_cast %mul3A_458 : i32 to index
        %get3A_500 = tpu.vector_load %arg8[%get3A_498, %get3A_499] {strides = array<i32>} : memref<4x4096xf32, #tpu.memory_space<vmem>>, vector<1x16xf32>,
        %get3A_501 = vector.shape_cast %get3A_500 : vector<1x16xf32> to vector<16xf32>
        %mul3A_502 = arith.constant 6.400000e+01 : f32
        %mul3A_503 = vector.broadcast %mul3A_502 : f32 to vector<16xf32>
        %mul3A_504 = arith.mulf %get3A_501, %mul3A_503 : vector<16xf32>
        %get3A_505 = arith.constant 2 : i32
        %get3A_506 = arith.index_cast %get3A_505 : i32 to index
        %get3A_507 = arith.index_cast %mul3A_458 : i32 to index
        %get3A_508 = tpu.vector_load %arg12[%get3A_506, %get3A_507] {strides = array<i32>} : memref<4x4096xf32, #tpu.memory_space<vmem>>, vector<1x16xf32>,
        %get3A_509 = vector.shape_cast %get3A_508 : vector<1x16xf32> to vector<16xf32>
        %add3A_510 = arith.addf %mul3A_504, %get3A_509 : vector<16xf32>
        %swap3A_511 = arith.constant 2 : i32
        %swap3A_512 = arith.index_cast %swap3A_511 : i32 to index
        %swap3A_513 = arith.index_cast %mul3A_458 : i32 to index
        %swap3A_514 = tpu.vector_load %arg10[%swap3A_512, %swap3A_513] {strides = array<i32>} : memref<4x4096xf32, #tpu.memory_space<vmem>>, vector<1x16xf32>,
        %swap3A_515 = vector.shape_cast %swap3A_514 : vector<1x16xf32> to vector<16xf32>
        %swap3A_516 = vector.shape_cast %add3A_510 : vector<16xf32> to vector<1x16xf32>
        tpu.vector_store %arg10[%swap3A_512, %swap3A_513], %swap3A_516 {strides = array<i32>} : memref<4x4096xf32, #tpu.memory_space<vmem>>, vector<1x16xf32>,
        %get3A_517 = arith.constant 3 : i32
        %get3A_518 = arith.index_cast %get3A_517 : i32 to index
        %get3A_519 = arith.index_cast %mul3A_458 : i32 to index
        %get3A_520 = tpu.vector_load %arg8[%get3A_518, %get3A_519] {strides = array<i32>} : memref<4x4096xf32, #tpu.memory_space<vmem>>, vector<1x16xf32>,
        %get3A_521 = vector.shape_cast %get3A_520 : vector<1x16xf32> to vector<16xf32>
        %mul3A_522 = arith.constant 6.400000e+01 : f32
        %mul3A_523 = vector.broadcast %mul3A_522 : f32 to vector<16xf32>
        %mul3A_524 = arith.mulf %get3A_521, %mul3A_523 : vector<16xf32>
        %get3A_525 = arith.constant 3 : i32
        %get3A_526 = arith.index_cast %get3A_525 : i32 to index
        %get3A_527 = arith.index_cast %mul3A_458 : i32 to index
        %get3A_528 = tpu.vector_load %arg12[%get3A_526, %get3A_527] {strides = array<i32>} : memref<4x4096xf32, #tpu.memory_space<vmem>>, vector<1x16xf32>,
        %get3A_529 = vector.shape_cast %get3A_528 : vector<1x16xf32> to vector<16xf32>
        %add3A_530 = arith.addf %mul3A_524, %get3A_529 : vector<16xf32>
        %swap3A_531 = arith.constant 3 : i32
        %swap3A_532 = arith.index_cast %swap3A_531 : i32 to index
        %swap3A_533 = arith.index_cast %mul3A_458 : i32 to index
        %swap3A_534 = tpu.vector_load %arg10[%swap3A_532, %swap3A_533] {strides = array<i32>} : memref<4x4096xf32, #tpu.memory_space<vmem>>, vector<1x16xf32>,
        %swap3A_535 = vector.shape_cast %swap3A_534 : vector<1x16xf32> to vector<16xf32>
        %swap3A_536 = vector.shape_cast %add3A_530 : vector<16xf32> to vector<1x16xf32>
        tpu.vector_store %arg10[%swap3A_532, %swap3A_533], %swap3A_536 {strides = array<i32>} : memref<4x4096xf32, #tpu.memory_space<vmem>>, vector<1x16xf32>,
      }
      %scan3A_334 = arith.constant 256 : i32
      %mul3A_335 = arith.constant 4 : i32
      %mul3A_336 = arith.muli %add3A_271, %mul3A_335 : i32
      %add3A_337 = arith.addi %mul3A_2, %mul3A_336 : i32
      %dma_start3A_338 = arith.constant 1 : i32
      %dma_start3A_339 = arith.constant 0 : i32
      %dma_start3A_340 = tpu.memref_slice %arg5[%dma_start3A_338, %add3A_337, %dma_start3A_339] : memref<4x4096x4096xf32, #tpu.memory_space<hbm>> -> memref<1x4x4096xf32, #tpu.memory_space<hbm>>
      %dma_start3A_341 = tpu.memref_squeeze %dma_start3A_340 : memref<1x4x4096xf32, #tpu.memory_space<hbm>> -> memref<4x4096xf32, #tpu.memory_space<hbm>>
      %dma_start3A_342 = arith.constant 0 : i32
      %dma_start3A_343 = tpu.memref_slice %arg5[%dma_start3A_338, %add3A_337, %dma_start3A_342] : memref<4x4096x4096xf32, #tpu.memory_space<hbm>> -> memref<1x4x4096xf32, #tpu.memory_space<hbm>>
      %dma_start3A_344 = tpu.memref_squeeze %dma_start3A_343 : memref<1x4x4096xf32, #tpu.memory_space<hbm>> -> memref<4x4096xf32, #tpu.memory_space<hbm>>
      tpu.enqueue_dma source(%arg10 : memref<4x4096xf32, #tpu.memory_space<vmem>>) target(%dma_start3A_344 : memref<4x4096xf32, #tpu.memory_space<hbm>>) target_semaphore(%arg16 : memref<!tpu.dma_semaphore, #tpu.memory_space<semaphore_mem>>)
      %mul3A_345 = arith.constant 4 : i32
      %mul3A_346 = arith.muli %add3A_271, %mul3A_345 : i32
      %dma_start3A_347 = arith.constant 3 : i32
      %dma_start3A_348 = tpu.memref_slice %arg6[%dma_start3A_347, %mul3A_346] : memref<4x128xi32, #tpu.memory_space<vmem>> -> memref<1x4xi32, #tpu.memory_space<vmem>>
      %dma_start3A_349 = tpu.memref_squeeze %dma_start3A_348 : memref<1x4xi32, #tpu.memory_space<vmem>> -> memref<4xi32, #tpu.memory_space<vmem>>
      %dma_start3A_350 = arith.constant 0 : i32
      %dma_start3A_351 = arith.constant 0 : i32
      %dma_start3A_352 = tpu.memref_slice %arg3[%dma_start3A_350, %dma_start3A_351] : memref<100000x4096xf32, #tpu.memory_space<hbm>> -> memref<100000x4096xf32, #tpu.memory_space<hbm>>
      tpu.enqueue_indirect_dma source(%dma_start3A_352 : memref<100000x4096xf32, #tpu.memory_space<hbm>>) target(%arg8 : memref<4x4096xf32, #tpu.memory_space<vmem>>) offsets(%dma_start3A_349 : memref<4xi32, #tpu.memory_space<vmem>>) semaphore(%arg14 : memref<!tpu.dma_semaphore, #tpu.memory_space<semaphore_mem>>)
      %mul3A_353 = arith.constant 4 : i32
      %mul3A_354 = arith.muli %add3A_271, %mul3A_353 : i32
      %dma_wait3A_355 = arith.constant 2 : i32
      %dma_wait3A_356 = tpu.memref_slice %arg6[%dma_wait3A_355, %mul3A_354] : memref<4x128xi32, #tpu.memory_space<vmem>> -> memref<1x4xi32, #tpu.memory_space<vmem>>
      %dma_wait3A_357 = tpu.memref_squeeze %dma_wait3A_356 : memref<1x4xi32, #tpu.memory_space<vmem>> -> memref<4xi32, #tpu.memory_space<vmem>>
      %dma_wait3A_358 = arith.constant 0 : i32
      %dma_wait3A_359 = arith.constant 0 : i32
      %dma_wait3A_360 = tpu.memref_slice %arg3[%dma_wait3A_358, %dma_wait3A_359] : memref<100000x4096xf32, #tpu.memory_space<hbm>> -> memref<100000x4096xf32, #tpu.memory_space<hbm>>
      tpu.wait_indirect_dma semaphore(%arg13 : memref<!tpu.dma_semaphore, #tpu.memory_space<semaphore_mem>>) src(%dma_wait3A_360 : memref<100000x4096xf32, #tpu.memory_space<hbm>>) dst(%arg7 : memref<4x4096xf32, #tpu.memory_space<vmem>>)
      %mul3A_361 = arith.constant 4 : i32
      %mul3A_362 = arith.muli %add3A_271, %mul3A_361 : i32
      %add3A_363 = arith.addi %mul3A_2, %mul3A_362 : i32
      %dma_wait3A_364 = arith.constant 2 : i32
      %dma_wait3A_365 = arith.constant 0 : i32
      %dma_wait3A_366 = tpu.memref_slice %arg5[%dma_wait3A_364, %add3A_363, %dma_wait3A_365] : memref<4x4096x4096xf32, #tpu.memory_space<hbm>> -> memref<1x4x4096xf32, #tpu.memory_space<hbm>>
      %dma_wait3A_367 = tpu.memref_squeeze %dma_wait3A_366 : memref<1x4x4096xf32, #tpu.memory_space<hbm>> -> memref<4x4096xf32, #tpu.memory_space<hbm>>
      %dma_wait3A_368 = arith.constant 0 : i32
      %dma_wait3A_369 = tpu.memref_slice %arg5[%dma_wait3A_364, %add3A_363, %dma_wait3A_368] : memref<4x4096x4096xf32, #tpu.memory_space<hbm>> -> memref<1x4x4096xf32, #tpu.memory_space<hbm>>
      %dma_wait3A_370 = tpu.memref_squeeze %dma_wait3A_369 : memref<1x4x4096xf32, #tpu.memory_space<hbm>> -> memref<4x4096xf32, #tpu.memory_space<hbm>>
      tpu.wait_dma2 semaphore(%arg15 : memref<!tpu.dma_semaphore, #tpu.memory_space<semaphore_mem>>) src(%arg9 : memref<4x4096xf32, #tpu.memory_space<vmem>>) dst(%dma_wait3A_370 : memref<4x4096xf32, #tpu.memory_space<hbm>>)
      %scan3A_371 = arith.constant 0 : i32
      %scan3A_372 = arith.constant 0 : i32
      %scan3A_373 = arith.constant 256 : i32
      %scan3A_374 = arith.addi %scan3A_372, %scan3A_373 : i32
      %scan3A_375 = arith.constant 1 : i32
      scf.for %scan3A_456 = %scan3A_372 to %scan3A_374 step %scan3A_375  : i32 {
        %mul3A_457 = arith.constant 16 : i32
        %mul3A_458 = arith.muli %scan3A_456, %mul3A_457 : i32
        %get3A = arith.constant 0 : i32
        %get3A_459 = arith.index_cast %get3A : i32 to index
        %get3A_460 = arith.index_cast %mul3A_458 : i32 to index
        %get3A_461 = tpu.vector_load %arg7[%get3A_459, %get3A_460] {strides = array<i32>} : memref<4x4096xf32, #tpu.memory_space<vmem>>, vector<1x16xf32>,
        %get3A_462 = vector.shape_cast %get3A_461 : vector<1x16xf32> to vector<16xf32>
        %mul3A_463 = arith.constant 6.400000e+01 : f32
        %mul3A_464 = vector.broadcast %mul3A_463 : f32 to vector<16xf32>
        %mul3A_465 = arith.mulf %get3A_462, %mul3A_464 : vector<16xf32>
        %get3A_466 = arith.constant 0 : i32
        %get3A_467 = arith.index_cast %get3A_466 : i32 to index
        %get3A_468 = arith.index_cast %mul3A_458 : i32 to index
        %get3A_469 = tpu.vector_load %arg12[%get3A_467, %get3A_468] {strides = array<i32>} : memref<4x4096xf32, #tpu.memory_space<vmem>>, vector<1x16xf32>,
        %get3A_470 = vector.shape_cast %get3A_469 : vector<1x16xf32> to vector<16xf32>
        %add3A_471 = arith.addf %mul3A_465, %get3A_470 : vector<16xf32>
        %swap3A = arith.constant 0 : i32
        %swap3A_472 = arith.index_cast %swap3A : i32 to index
        %swap3A_473 = arith.index_cast %mul3A_458 : i32 to index
        %swap3A_474 = tpu.vector_load %arg9[%swap3A_472, %swap3A_473] {strides = array<i32>} : memref<4x4096xf32, #tpu.memory_space<vmem>>, vector<1x16xf32>,
        %swap3A_475 = vector.shape_cast %swap3A_474 : vector<1x16xf32> to vector<16xf32>
        %swap3A_476 = vector.shape_cast %add3A_471 : vector<16xf32> to vector<1x16xf32>
        tpu.vector_store %arg9[%swap3A_472, %swap3A_473], %swap3A_476 {strides = array<i32>} : memref<4x4096xf32, #tpu.memory_space<vmem>>, vector<1x16xf32>,
        %get3A_477 = arith.constant 1 : i32
        %get3A_478 = arith.index_cast %get3A_477 : i32 to index
        %get3A_479 = arith.index_cast %mul3A_458 : i32 to index
        %get3A_480 = tpu.vector_load %arg7[%get3A_478, %get3A_479] {strides = array<i32>} : memref<4x4096xf32, #tpu.memory_space<vmem>>, vector<1x16xf32>,
        %get3A_481 = vector.shape_cast %get3A_480 : vector<1x16xf32> to vector<16xf32>
        %mul3A_482 = arith.constant 6.400000e+01 : f32
        %mul3A_483 = vector.broadcast %mul3A_482 : f32 to vector<16xf32>
        %mul3A_484 = arith.mulf %get3A_481, %mul3A_483 : vector<16xf32>
        %get3A_485 = arith.constant 1 : i32
        %get3A_486 = arith.index_cast %get3A_485 : i32 to index
        %get3A_487 = arith.index_cast %mul3A_458 : i32 to index
        %get3A_488 = tpu.vector_load %arg12[%get3A_486, %get3A_487] {strides = array<i32>} : memref<4x4096xf32, #tpu.memory_space<vmem>>, vector<1x16xf32>,
        %get3A_489 = vector.shape_cast %get3A_488 : vector<1x16xf32> to vector<16xf32>
        %add3A_490 = arith.addf %mul3A_484, %get3A_489 : vector<16xf32>
        %swap3A_491 = arith.constant 1 : i32
        %swap3A_492 = arith.index_cast %swap3A_491 : i32 to index
        %swap3A_493 = arith.index_cast %mul3A_458 : i32 to index
        %swap3A_494 = tpu.vector_load %arg9[%swap3A_492, %swap3A_493] {strides = array<i32>} : memref<4x4096xf32, #tpu.memory_space<vmem>>, vector<1x16xf32>,
        %swap3A_495 = vector.shape_cast %swap3A_494 : vector<1x16xf32> to vector<16xf32>
        %swap3A_496 = vector.shape_cast %add3A_490 : vector<16xf32> to vector<1x16xf32>
        tpu.vector_store %arg9[%swap3A_492, %swap3A_493], %swap3A_496 {strides = array<i32>} : memref<4x4096xf32, #tpu.memory_space<vmem>>, vector<1x16xf32>,
        %get3A_497 = arith.constant 2 : i32
        %get3A_498 = arith.index_cast %get3A_497 : i32 to index
        %get3A_499 = arith.index_cast %mul3A_458 : i32 to index
        %get3A_500 = tpu.vector_load %arg7[%get3A_498, %get3A_499] {strides = array<i32>} : memref<4x4096xf32, #tpu.memory_space<vmem>>, vector<1x16xf32>,
        %get3A_501 = vector.shape_cast %get3A_500 : vector<1x16xf32> to vector<16xf32>
        %mul3A_502 = arith.constant 6.400000e+01 : f32
        %mul3A_503 = vector.broadcast %mul3A_502 : f32 to vector<16xf32>
        %mul3A_504 = arith.mulf %get3A_501, %mul3A_503 : vector<16xf32>
        %get3A_505 = arith.constant 2 : i32
        %get3A_506 = arith.index_cast %get3A_505 : i32 to index
        %get3A_507 = arith.index_cast %mul3A_458 : i32 to index
        %get3A_508 = tpu.vector_load %arg12[%get3A_506, %get3A_507] {strides = array<i32>} : memref<4x4096xf32, #tpu.memory_space<vmem>>, vector<1x16xf32>,
        %get3A_509 = vector.shape_cast %get3A_508 : vector<1x16xf32> to vector<16xf32>
        %add3A_510 = arith.addf %mul3A_504, %get3A_509 : vector<16xf32>
        %swap3A_511 = arith.constant 2 : i32
        %swap3A_512 = arith.index_cast %swap3A_511 : i32 to index
        %swap3A_513 = arith.index_cast %mul3A_458 : i32 to index
        %swap3A_514 = tpu.vector_load %arg9[%swap3A_512, %swap3A_513] {strides = array<i32>} : memref<4x4096xf32, #tpu.memory_space<vmem>>, vector<1x16xf32>,
        %swap3A_515 = vector.shape_cast %swap3A_514 : vector<1x16xf32> to vector<16xf32>
        %swap3A_516 = vector.shape_cast %add3A_510 : vector<16xf32> to vector<1x16xf32>
        tpu.vector_store %arg9[%swap3A_512, %swap3A_513], %swap3A_516 {strides = array<i32>} : memref<4x4096xf32, #tpu.memory_space<vmem>>, vector<1x16xf32>,
        %get3A_517 = arith.constant 3 : i32
        %get3A_518 = arith.index_cast %get3A_517 : i32 to index
        %get3A_519 = arith.index_cast %mul3A_458 : i32 to index
        %get3A_520 = tpu.vector_load %arg7[%get3A_518, %get3A_519] {strides = array<i32>} : memref<4x4096xf32, #tpu.memory_space<vmem>>, vector<1x16xf32>,
        %get3A_521 = vector.shape_cast %get3A_520 : vector<1x16xf32> to vector<16xf32>
        %mul3A_522 = arith.constant 6.400000e+01 : f32
        %mul3A_523 = vector.broadcast %mul3A_522 : f32 to vector<16xf32>
        %mul3A_524 = arith.mulf %get3A_521, %mul3A_523 : vector<16xf32>
        %get3A_525 = arith.constant 3 : i32
        %get3A_526 = arith.index_cast %get3A_525 : i32 to index
        %get3A_527 = arith.index_cast %mul3A_458 : i32 to index
        %get3A_528 = tpu.vector_load %arg12[%get3A_526, %get3A_527] {strides = array<i32>} : memref<4x4096xf32, #tpu.memory_space<vmem>>, vector<1x16xf32>,
        %get3A_529 = vector.shape_cast %get3A_528 : vector<1x16xf32> to vector<16xf32>
        %add3A_530 = arith.addf %mul3A_524, %get3A_529 : vector<16xf32>
        %swap3A_531 = arith.constant 3 : i32
        %swap3A_532 = arith.index_cast %swap3A_531 : i32 to index
        %swap3A_533 = arith.index_cast %mul3A_458 : i32 to index
        %swap3A_534 = tpu.vector_load %arg9[%swap3A_532, %swap3A_533] {strides = array<i32>} : memref<4x4096xf32, #tpu.memory_space<vmem>>, vector<1x16xf32>,
        %swap3A_535 = vector.shape_cast %swap3A_534 : vector<1x16xf32> to vector<16xf32>
        %swap3A_536 = vector.shape_cast %add3A_530 : vector<16xf32> to vector<1x16xf32>
        tpu.vector_store %arg9[%swap3A_532, %swap3A_533], %swap3A_536 {strides = array<i32>} : memref<4x4096xf32, #tpu.memory_space<vmem>>, vector<1x16xf32>,
      }
      %scan3A_376 = arith.constant 256 : i32
      %mul3A_377 = arith.constant 4 : i32
      %mul3A_378 = arith.muli %add3A_271, %mul3A_377 : i32
      %add3A_379 = arith.addi %mul3A_2, %mul3A_378 : i32
      %dma_start3A_380 = arith.constant 2 : i32
      %dma_start3A_381 = arith.constant 0 : i32
      %dma_start3A_382 = tpu.memref_slice %arg5[%dma_start3A_380, %add3A_379, %dma_start3A_381] : memref<4x4096x4096xf32, #tpu.memory_space<hbm>> -> memref<1x4x4096xf32, #tpu.memory_space<hbm>>
      %dma_start3A_383 = tpu.memref_squeeze %dma_start3A_382 : memref<1x4x4096xf32, #tpu.memory_space<hbm>> -> memref<4x4096xf32, #tpu.memory_space<hbm>>
      %dma_start3A_384 = arith.constant 0 : i32
      %dma_start3A_385 = tpu.memref_slice %arg5[%dma_start3A_380, %add3A_379, %dma_start3A_384] : memref<4x4096x4096xf32, #tpu.memory_space<hbm>> -> memref<1x4x4096xf32, #tpu.memory_space<hbm>>
      %dma_start3A_386 = tpu.memref_squeeze %dma_start3A_385 : memref<1x4x4096xf32, #tpu.memory_space<hbm>> -> memref<4x4096xf32, #tpu.memory_space<hbm>>
      tpu.enqueue_dma source(%arg9 : memref<4x4096xf32, #tpu.memory_space<vmem>>) target(%dma_start3A_386 : memref<4x4096xf32, #tpu.memory_space<hbm>>) target_semaphore(%arg15 : memref<!tpu.dma_semaphore, #tpu.memory_space<semaphore_mem>>)
      %add3A_387 = arith.constant 1 : i32
      %add3A_388 = arith.addi %add3A_271, %add3A_387 : i32
      %min3A_389 = arith.constant 31 : i32
      %min3A_390 = arith.minsi %add3A_388, %min3A_389 : i32
      %mul3A_391 = arith.constant 4 : i32
      %mul3A_392 = arith.muli %min3A_390, %mul3A_391 : i32
      %dma_start3A_393 = arith.constant 0 : i32
      %dma_start3A_394 = tpu.memref_slice %arg6[%dma_start3A_393, %mul3A_392] : memref<4x128xi32, #tpu.memory_space<vmem>> -> memref<1x4xi32, #tpu.memory_space<vmem>>
      %dma_start3A_395 = tpu.memref_squeeze %dma_start3A_394 : memref<1x4xi32, #tpu.memory_space<vmem>> -> memref<4xi32, #tpu.memory_space<vmem>>
      %dma_start3A_396 = arith.constant 0 : i32
      %dma_start3A_397 = arith.constant 0 : i32
      %dma_start3A_398 = tpu.memref_slice %arg3[%dma_start3A_396, %dma_start3A_397] : memref<100000x4096xf32, #tpu.memory_space<hbm>> -> memref<100000x4096xf32, #tpu.memory_space<hbm>>
      tpu.enqueue_indirect_dma source(%dma_start3A_398 : memref<100000x4096xf32, #tpu.memory_space<hbm>>) target(%arg7 : memref<4x4096xf32, #tpu.memory_space<vmem>>) offsets(%dma_start3A_395 : memref<4xi32, #tpu.memory_space<vmem>>) semaphore(%arg13 : memref<!tpu.dma_semaphore, #tpu.memory_space<semaphore_mem>>)
      %mul3A_399 = arith.constant 4 : i32
      %mul3A_400 = arith.muli %add3A_271, %mul3A_399 : i32
      %dma_wait3A_401 = arith.constant 3 : i32
      %dma_wait3A_402 = tpu.memref_slice %arg6[%dma_wait3A_401, %mul3A_400] : memref<4x128xi32, #tpu.memory_space<vmem>> -> memref<1x4xi32, #tpu.memory_space<vmem>>
      %dma_wait3A_403 = tpu.memref_squeeze %dma_wait3A_402 : memref<1x4xi32, #tpu.memory_space<vmem>> -> memref<4xi32, #tpu.memory_space<vmem>>
      %dma_wait3A_404 = arith.constant 0 : i32
      %dma_wait3A_405 = arith.constant 0 : i32
      %dma_wait3A_406 = tpu.memref_slice %arg3[%dma_wait3A_404, %dma_wait3A_405] : memref<100000x4096xf32, #tpu.memory_space<hbm>> -> memref<100000x4096xf32, #tpu.memory_space<hbm>>
      tpu.wait_indirect_dma semaphore(%arg14 : memref<!tpu.dma_semaphore, #tpu.memory_space<semaphore_mem>>) src(%dma_wait3A_406 : memref<100000x4096xf32, #tpu.memory_space<hbm>>) dst(%arg8 : memref<4x4096xf32, #tpu.memory_space<vmem>>)
      %mul3A_407 = arith.constant 4 : i32
      %mul3A_408 = arith.muli %add3A_271, %mul3A_407 : i32
      %add3A_409 = arith.addi %mul3A_2, %mul3A_408 : i32
      %dma_wait3A_410 = arith.constant 3 : i32
      %dma_wait3A_411 = arith.constant 0 : i32
      %dma_wait3A_412 = tpu.memref_slice %arg5[%dma_wait3A_410, %add3A_409, %dma_wait3A_411] : memref<4x4096x4096xf32, #tpu.memory_space<hbm>> -> memref<1x4x4096xf32, #tpu.memory_space<hbm>>
      %dma_wait3A_413 = tpu.memref_squeeze %dma_wait3A_412 : memref<1x4x4096xf32, #tpu.memory_space<hbm>> -> memref<4x4096xf32, #tpu.memory_space<hbm>>
      %dma_wait3A_414 = arith.constant 0 : i32
      %dma_wait3A_415 = tpu.memref_slice %arg5[%dma_wait3A_410, %add3A_409, %dma_wait3A_414] : memref<4x4096x4096xf32, #tpu.memory_space<hbm>> -> memref<1x4x4096xf32, #tpu.memory_space<hbm>>
      %dma_wait3A_416 = tpu.memref_squeeze %dma_wait3A_415 : memref<1x4x4096xf32, #tpu.memory_space<hbm>> -> memref<4x4096xf32, #tpu.memory_space<hbm>>
      tpu.wait_dma2 semaphore(%arg16 : memref<!tpu.dma_semaphore, #tpu.memory_space<semaphore_mem>>) src(%arg10 : memref<4x4096xf32, #tpu.memory_space<vmem>>) dst(%dma_wait3A_416 : memref<4x4096xf32, #tpu.memory_space<hbm>>)
      %scan3A_417 = arith.constant 0 : i32
      %scan3A_418 = arith.constant 0 : i32
      %scan3A_419 = arith.constant 256 : i32
      %scan3A_420 = arith.addi %scan3A_418, %scan3A_419 : i32
      %scan3A_421 = arith.constant 1 : i32
      scf.for %scan3A_456 = %scan3A_418 to %scan3A_420 step %scan3A_421  : i32 {
        %mul3A_457 = arith.constant 16 : i32
        %mul3A_458 = arith.muli %scan3A_456, %mul3A_457 : i32
        %get3A = arith.constant 0 : i32
        %get3A_459 = arith.index_cast %get3A : i32 to index
        %get3A_460 = arith.index_cast %mul3A_458 : i32 to index
        %get3A_461 = tpu.vector_load %arg8[%get3A_459, %get3A_460] {strides = array<i32>} : memref<4x4096xf32, #tpu.memory_space<vmem>>, vector<1x16xf32>,
        %get3A_462 = vector.shape_cast %get3A_461 : vector<1x16xf32> to vector<16xf32>
        %mul3A_463 = arith.constant 6.400000e+01 : f32
        %mul3A_464 = vector.broadcast %mul3A_463 : f32 to vector<16xf32>
        %mul3A_465 = arith.mulf %get3A_462, %mul3A_464 : vector<16xf32>
        %get3A_466 = arith.constant 0 : i32
        %get3A_467 = arith.index_cast %get3A_466 : i32 to index
        %get3A_468 = arith.index_cast %mul3A_458 : i32 to index
        %get3A_469 = tpu.vector_load %arg12[%get3A_467, %get3A_468] {strides = array<i32>} : memref<4x4096xf32, #tpu.memory_space<vmem>>, vector<1x16xf32>,
        %get3A_470 = vector.shape_cast %get3A_469 : vector<1x16xf32> to vector<16xf32>
        %add3A_471 = arith.addf %mul3A_465, %get3A_470 : vector<16xf32>
        %swap3A = arith.constant 0 : i32
        %swap3A_472 = arith.index_cast %swap3A : i32 to index
        %swap3A_473 = arith.index_cast %mul3A_458 : i32 to index
        %swap3A_474 = tpu.vector_load %arg10[%swap3A_472, %swap3A_473] {strides = array<i32>} : memref<4x4096xf32, #tpu.memory_space<vmem>>, vector<1x16xf32>,
        %swap3A_475 = vector.shape_cast %swap3A_474 : vector<1x16xf32> to vector<16xf32>
        %swap3A_476 = vector.shape_cast %add3A_471 : vector<16xf32> to vector<1x16xf32>
        tpu.vector_store %arg10[%swap3A_472, %swap3A_473], %swap3A_476 {strides = array<i32>} : memref<4x4096xf32, #tpu.memory_space<vmem>>, vector<1x16xf32>,
        %get3A_477 = arith.constant 1 : i32
        %get3A_478 = arith.index_cast %get3A_477 : i32 to index
        %get3A_479 = arith.index_cast %mul3A_458 : i32 to index
        %get3A_480 = tpu.vector_load %arg8[%get3A_478, %get3A_479] {strides = array<i32>} : memref<4x4096xf32, #tpu.memory_space<vmem>>, vector<1x16xf32>,
        %get3A_481 = vector.shape_cast %get3A_480 : vector<1x16xf32> to vector<16xf32>
        %mul3A_482 = arith.constant 6.400000e+01 : f32
        %mul3A_483 = vector.broadcast %mul3A_482 : f32 to vector<16xf32>
        %mul3A_484 = arith.mulf %get3A_481, %mul3A_483 : vector<16xf32>
        %get3A_485 = arith.constant 1 : i32
        %get3A_486 = arith.index_cast %get3A_485 : i32 to index
        %get3A_487 = arith.index_cast %mul3A_458 : i32 to index
        %get3A_488 = tpu.vector_load %arg12[%get3A_486, %get3A_487] {strides = array<i32>} : memref<4x4096xf32, #tpu.memory_space<vmem>>, vector<1x16xf32>,
        %get3A_489 = vector.shape_cast %get3A_488 : vector<1x16xf32> to vector<16xf32>
        %add3A_490 = arith.addf %mul3A_484, %get3A_489 : vector<16xf32>
        %swap3A_491 = arith.constant 1 : i32
        %swap3A_492 = arith.index_cast %swap3A_491 : i32 to index
        %swap3A_493 = arith.index_cast %mul3A_458 : i32 to index
        %swap3A_494 = tpu.vector_load %arg10[%swap3A_492, %swap3A_493] {strides = array<i32>} : memref<4x4096xf32, #tpu.memory_space<vmem>>, vector<1x16xf32>,
        %swap3A_495 = vector.shape_cast %swap3A_494 : vector<1x16xf32> to vector<16xf32>
        %swap3A_496 = vector.shape_cast %add3A_490 : vector<16xf32> to vector<1x16xf32>
        tpu.vector_store %arg10[%swap3A_492, %swap3A_493], %swap3A_496 {strides = array<i32>} : memref<4x4096xf32, #tpu.memory_space<vmem>>, vector<1x16xf32>,
        %get3A_497 = arith.constant 2 : i32
        %get3A_498 = arith.index_cast %get3A_497 : i32 to index
        %get3A_499 = arith.index_cast %mul3A_458 : i32 to index
        %get3A_500 = tpu.vector_load %arg8[%get3A_498, %get3A_499] {strides = array<i32>} : memref<4x4096xf32, #tpu.memory_space<vmem>>, vector<1x16xf32>,
        %get3A_501 = vector.shape_cast %get3A_500 : vector<1x16xf32> to vector<16xf32>
        %mul3A_502 = arith.constant 6.400000e+01 : f32
        %mul3A_503 = vector.broadcast %mul3A_502 : f32 to vector<16xf32>
        %mul3A_504 = arith.mulf %get3A_501, %mul3A_503 : vector<16xf32>
        %get3A_505 = arith.constant 2 : i32
        %get3A_506 = arith.index_cast %get3A_505 : i32 to index
        %get3A_507 = arith.index_cast %mul3A_458 : i32 to index
        %get3A_508 = tpu.vector_load %arg12[%get3A_506, %get3A_507] {strides = array<i32>} : memref<4x4096xf32, #tpu.memory_space<vmem>>, vector<1x16xf32>,
        %get3A_509 = vector.shape_cast %get3A_508 : vector<1x16xf32> to vector<16xf32>
        %add3A_510 = arith.addf %mul3A_504, %get3A_509 : vector<16xf32>
        %swap3A_511 = arith.constant 2 : i32
        %swap3A_512 = arith.index_cast %swap3A_511 : i32 to index
        %swap3A_513 = arith.index_cast %mul3A_458 : i32 to index
        %swap3A_514 = tpu.vector_load %arg10[%swap3A_512, %swap3A_513] {strides = array<i32>} : memref<4x4096xf32, #tpu.memory_space<vmem>>, vector<1x16xf32>,
        %swap3A_515 = vector.shape_cast %swap3A_514 : vector<1x16xf32> to vector<16xf32>
        %swap3A_516 = vector.shape_cast %add3A_510 : vector<16xf32> to vector<1x16xf32>
        tpu.vector_store %arg10[%swap3A_512, %swap3A_513], %swap3A_516 {strides = array<i32>} : memref<4x4096xf32, #tpu.memory_space<vmem>>, vector<1x16xf32>,
        %get3A_517 = arith.constant 3 : i32
        %get3A_518 = arith.index_cast %get3A_517 : i32 to index
        %get3A_519 = arith.index_cast %mul3A_458 : i32 to index
        %get3A_520 = tpu.vector_load %arg8[%get3A_518, %get3A_519] {strides = array<i32>} : memref<4x4096xf32, #tpu.memory_space<vmem>>, vector<1x16xf32>,
        %get3A_521 = vector.shape_cast %get3A_520 : vector<1x16xf32> to vector<16xf32>
        %mul3A_522 = arith.constant 6.400000e+01 : f32
        %mul3A_523 = vector.broadcast %mul3A_522 : f32 to vector<16xf32>
        %mul3A_524 = arith.mulf %get3A_521, %mul3A_523 : vector<16xf32>
        %get3A_525 = arith.constant 3 : i32
        %get3A_526 = arith.index_cast %get3A_525 : i32 to index
        %get3A_527 = arith.index_cast %mul3A_458 : i32 to index
        %get3A_528 = tpu.vector_load %arg12[%get3A_526, %get3A_527] {strides = array<i32>} : memref<4x4096xf32, #tpu.memory_space<vmem>>, vector<1x16xf32>,
        %get3A_529 = vector.shape_cast %get3A_528 : vector<1x16xf32> to vector<16xf32>
        %add3A_530 = arith.addf %mul3A_524, %get3A_529 : vector<16xf32>
        %swap3A_531 = arith.constant 3 : i32
        %swap3A_532 = arith.index_cast %swap3A_531 : i32 to index
        %swap3A_533 = arith.index_cast %mul3A_458 : i32 to index
        %swap3A_534 = tpu.vector_load %arg10[%swap3A_532, %swap3A_533] {strides = array<i32>} : memref<4x4096xf32, #tpu.memory_space<vmem>>, vector<1x16xf32>,
        %swap3A_535 = vector.shape_cast %swap3A_534 : vector<1x16xf32> to vector<16xf32>
        %swap3A_536 = vector.shape_cast %add3A_530 : vector<16xf32> to vector<1x16xf32>
        tpu.vector_store %arg10[%swap3A_532, %swap3A_533], %swap3A_536 {strides = array<i32>} : memref<4x4096xf32, #tpu.memory_space<vmem>>, vector<1x16xf32>,
      }
      %scan3A_422 = arith.constant 256 : i32
      %mul3A_423 = arith.constant 4 : i32
      %mul3A_424 = arith.muli %add3A_271, %mul3A_423 : i32
      %add3A_425 = arith.addi %mul3A_2, %mul3A_424 : i32
      %dma_start3A_426 = arith.constant 3 : i32
      %dma_start3A_427 = arith.constant 0 : i32
      %dma_start3A_428 = tpu.memref_slice %arg5[%dma_start3A_426, %add3A_425, %dma_start3A_427] : memref<4x4096x4096xf32, #tpu.memory_space<hbm>> -> memref<1x4x4096xf32, #tpu.memory_space<hbm>>
      %dma_start3A_429 = tpu.memref_squeeze %dma_start3A_428 : memref<1x4x4096xf32, #tpu.memory_space<hbm>> -> memref<4x4096xf32, #tpu.memory_space<hbm>>
      %dma_start3A_430 = arith.constant 0 : i32
      %dma_start3A_431 = tpu.memref_slice %arg5[%dma_start3A_426, %add3A_425, %dma_start3A_430] : memref<4x4096x4096xf32, #tpu.memory_space<hbm>> -> memref<1x4x4096xf32, #tpu.memory_space<hbm>>
      %dma_start3A_432 = tpu.memref_squeeze %dma_start3A_431 : memref<1x4x4096xf32, #tpu.memory_space<hbm>> -> memref<4x4096xf32, #tpu.memory_space<hbm>>
      tpu.enqueue_dma source(%arg10 : memref<4x4096xf32, #tpu.memory_space<vmem>>) target(%dma_start3A_432 : memref<4x4096xf32, #tpu.memory_space<hbm>>) target_semaphore(%arg16 : memref<!tpu.dma_semaphore, #tpu.memory_space<semaphore_mem>>)
      %add3A_433 = arith.constant 1 : i32
      %add3A_434 = arith.addi %add3A_271, %add3A_433 : i32
      %min3A_435 = arith.constant 31 : i32
      %min3A_436 = arith.minsi %add3A_434, %min3A_435 : i32
      %mul3A_437 = arith.constant 4 : i32
      %mul3A_438 = arith.muli %min3A_436, %mul3A_437 : i32
      %dma_start3A_439 = arith.constant 1 : i32
      %dma_start3A_440 = tpu.memref_slice %arg6[%dma_start3A_439, %mul3A_438] : memref<4x128xi32, #tpu.memory_space<vmem>> -> memref<1x4xi32, #tpu.memory_space<vmem>>
      %dma_start3A_441 = tpu.memref_squeeze %dma_start3A_440 : memref<1x4xi32, #tpu.memory_space<vmem>> -> memref<4xi32, #tpu.memory_space<vmem>>
      %dma_start3A_442 = arith.constant 0 : i32
      %dma_start3A_443 = arith.constant 0 : i32
      %dma_start3A_444 = tpu.memref_slice %arg3[%dma_start3A_442, %dma_start3A_443] : memref<100000x4096xf32, #tpu.memory_space<hbm>> -> memref<100000x4096xf32, #tpu.memory_space<hbm>>
      tpu.enqueue_indirect_dma source(%dma_start3A_444 : memref<100000x4096xf32, #tpu.memory_space<hbm>>) target(%arg8 : memref<4x4096xf32, #tpu.memory_space<vmem>>) offsets(%dma_start3A_441 : memref<4xi32, #tpu.memory_space<vmem>>) semaphore(%arg14 : memref<!tpu.dma_semaphore, #tpu.memory_space<semaphore_mem>>)
      %add3A_445 = arith.constant 2 : i32
      %add3A_446 = arith.addi %add3A_271, %add3A_445 : i32
      %min3A_447 = arith.constant 31 : i32
      %min3A_448 = arith.minsi %add3A_446, %min3A_447 : i32
      %mul3A_449 = arith.constant 4 : i32
      %mul3A_450 = arith.muli %min3A_448, %mul3A_449 : i32
      %add3A_451 = arith.addi %mul3A_2, %mul3A_450 : i32
      %dma_start3A_452 = arith.constant 0 : i32
      %dma_start3A_453 = tpu.memref_slice %arg4[%add3A_451, %dma_start3A_452] : memref<8192x4096xf32, #tpu.memory_space<hbm>> -> memref<4x4096xf32, #tpu.memory_space<hbm>>
      %dma_start3A_454 = arith.constant 0 : i32
      %dma_start3A_455 = tpu.memref_slice %arg4[%add3A_451, %dma_start3A_454] : memref<8192x4096xf32, #tpu.memory_space<hbm>> -> memref<4x4096xf32, #tpu.memory_space<hbm>>
      tpu.enqueue_dma source(%dma_start3A_455 : memref<4x4096xf32, #tpu.memory_space<hbm>>) target(%arg12 : memref<4x4096xf32, #tpu.memory_space<vmem>>) target_semaphore(%arg18 : memref<!tpu.dma_semaphore, #tpu.memory_space<semaphore_mem>>)
    }
    %scan3A_39 = arith.constant 16 : i32
    %dma_wait3A = arith.constant 0 : i32
    %dma_wait3A_40 = arith.constant 124 : i32
    %dma_wait3A_41 = tpu.memref_slice %arg6[%dma_wait3A, %dma_wait3A_40] : memref<4x128xi32, #tpu.memory_space<vmem>> -> memref<1x4xi32, #tpu.memory_space<vmem>>
    %dma_wait3A_42 = tpu.memref_squeeze %dma_wait3A_41 : memref<1x4xi32, #tpu.memory_space<vmem>> -> memref<4xi32, #tpu.memory_space<vmem>>
    %dma_wait3A_43 = arith.constant 0 : i32
    %dma_wait3A_44 = arith.constant 0 : i32
    %dma_wait3A_45 = tpu.memref_slice %arg3[%dma_wait3A_43, %dma_wait3A_44] : memref<100000x4096xf32, #tpu.memory_space<hbm>> -> memref<100000x4096xf32, #tpu.memory_space<hbm>>
    tpu.wait_indirect_dma semaphore(%arg13 : memref<!tpu.dma_semaphore, #tpu.memory_space<semaphore_mem>>) src(%dma_wait3A_45 : memref<100000x4096xf32, #tpu.memory_space<hbm>>) dst(%arg7 : memref<4x4096xf32, #tpu.memory_space<vmem>>)
    %dma_wait3A_46 = arith.constant 1 : i32
    %dma_wait3A_47 = arith.constant 124 : i32
    %dma_wait3A_48 = tpu.memref_slice %arg6[%dma_wait3A_46, %dma_wait3A_47] : memref<4x128xi32, #tpu.memory_space<vmem>> -> memref<1x4xi32, #tpu.memory_space<vmem>>
    %dma_wait3A_49 = tpu.memref_squeeze %dma_wait3A_48 : memref<1x4xi32, #tpu.memory_space<vmem>> -> memref<4xi32, #tpu.memory_space<vmem>>
    %dma_wait3A_50 = arith.constant 0 : i32
    %dma_wait3A_51 = arith.constant 0 : i32
    %dma_wait3A_52 = tpu.memref_slice %arg3[%dma_wait3A_50, %dma_wait3A_51] : memref<100000x4096xf32, #tpu.memory_space<hbm>> -> memref<100000x4096xf32, #tpu.memory_space<hbm>>
    tpu.wait_indirect_dma semaphore(%arg14 : memref<!tpu.dma_semaphore, #tpu.memory_space<semaphore_mem>>) src(%dma_wait3A_52 : memref<100000x4096xf32, #tpu.memory_space<hbm>>) dst(%arg8 : memref<4x4096xf32, #tpu.memory_space<vmem>>)
    %add3A_53 = arith.constant 124 : i32
    %add3A_54 = arith.addi %mul3A_2, %add3A_53 : i32
    %dma_wait3A_55 = arith.constant 2 : i32
    %dma_wait3A_56 = arith.constant 0 : i32
    %dma_wait3A_57 = tpu.memref_slice %arg5[%dma_wait3A_55, %add3A_54, %dma_wait3A_56] : memref<4x4096x4096xf32, #tpu.memory_space<hbm>> -> memref<1x4x4096xf32, #tpu.memory_space<hbm>>
    %dma_wait3A_58 = tpu.memref_squeeze %dma_wait3A_57 : memref<1x4x4096xf32, #tpu.memory_space<hbm>> -> memref<4x4096xf32, #tpu.memory_space<hbm>>
    %dma_wait3A_59 = arith.constant 0 : i32
    %dma_wait3A_60 = tpu.memref_slice %arg5[%dma_wait3A_55, %add3A_54, %dma_wait3A_59] : memref<4x4096x4096xf32, #tpu.memory_space<hbm>> -> memref<1x4x4096xf32, #tpu.memory_space<hbm>>
    %dma_wait3A_61 = tpu.memref_squeeze %dma_wait3A_60 : memref<1x4x4096xf32, #tpu.memory_space<hbm>> -> memref<4x4096xf32, #tpu.memory_space<hbm>>
    tpu.wait_dma2 semaphore(%arg15 : memref<!tpu.dma_semaphore, #tpu.memory_space<semaphore_mem>>) src(%arg9 : memref<4x4096xf32, #tpu.memory_space<vmem>>) dst(%dma_wait3A_61 : memref<4x4096xf32, #tpu.memory_space<hbm>>)
    %add3A_62 = arith.constant 124 : i32
    %add3A_63 = arith.addi %mul3A_2, %add3A_62 : i32
    %dma_wait3A_64 = arith.constant 3 : i32
    %dma_wait3A_65 = arith.constant 0 : i32
    %dma_wait3A_66 = tpu.memref_slice %arg5[%dma_wait3A_64, %add3A_63, %dma_wait3A_65] : memref<4x4096x4096xf32, #tpu.memory_space<hbm>> -> memref<1x4x4096xf32, #tpu.memory_space<hbm>>
    %dma_wait3A_67 = tpu.memref_squeeze %dma_wait3A_66 : memref<1x4x4096xf32, #tpu.memory_space<hbm>> -> memref<4x4096xf32, #tpu.memory_space<hbm>>
    %dma_wait3A_68 = arith.constant 0 : i32
    %dma_wait3A_69 = tpu.memref_slice %arg5[%dma_wait3A_64, %add3A_63, %dma_wait3A_68] : memref<4x4096x4096xf32, #tpu.memory_space<hbm>> -> memref<1x4x4096xf32, #tpu.memory_space<hbm>>
    %dma_wait3A_70 = tpu.memref_squeeze %dma_wait3A_69 : memref<1x4x4096xf32, #tpu.memory_space<hbm>> -> memref<4x4096xf32, #tpu.memory_space<hbm>>
    tpu.wait_dma2 semaphore(%arg16 : memref<!tpu.dma_semaphore, #tpu.memory_space<semaphore_mem>>) src(%arg10 : memref<4x4096xf32, #tpu.memory_space<vmem>>) dst(%dma_wait3A_70 : memref<4x4096xf32, #tpu.memory_space<hbm>>)
    %add3A_71 = arith.constant 124 : i32
    %add3A_72 = arith.addi %mul3A_2, %add3A_71 : i32
    %dma_wait3A_73 = arith.constant 0 : i32
    %dma_wait3A_74 = tpu.memref_slice %arg4[%add3A_72, %dma_wait3A_73] : memref<8192x4096xf32, #tpu.memory_space<hbm>> -> memref<4x4096xf32, #tpu.memory_space<hbm>>
    %dma_wait3A_75 = arith.constant 0 : i32
    %dma_wait3A_76 = tpu.memref_slice %arg4[%add3A_72, %dma_wait3A_75] : memref<8192x4096xf32, #tpu.memory_space<hbm>> -> memref<4x4096xf32, #tpu.memory_space<hbm>>
    tpu.wait_dma2 semaphore(%arg17 : memref<!tpu.dma_semaphore, #tpu.memory_space<semaphore_mem>>) src(%dma_wait3A_76 : memref<4x4096xf32, #tpu.memory_space<hbm>>) dst(%arg11 : memref<4x4096xf32, #tpu.memory_space<vmem>>)
    %add3A_77 = arith.constant 124 : i32
    %add3A_78 = arith.addi %mul3A_2, %add3A_77 : i32
    %dma_wait3A_79 = arith.constant 0 : i32
    %dma_wait3A_80 = tpu.memref_slice %arg4[%add3A_78, %dma_wait3A_79] : memref<8192x4096xf32, #tpu.memory_space<hbm>> -> memref<4x4096xf32, #tpu.memory_space<hbm>>
    %dma_wait3A_81 = arith.constant 0 : i32
    %dma_wait3A_82 = tpu.memref_slice %arg4[%add3A_78, %dma_wait3A_81] : memref<8192x4096xf32, #tpu.memory_space<hbm>> -> memref<4x4096xf32, #tpu.memory_space<hbm>>
    tpu.wait_dma2 semaphore(%arg18 : memref<!tpu.dma_semaphore, #tpu.memory_space<semaphore_mem>>) src(%dma_wait3A_82 : memref<4x4096xf32, #tpu.memory_space<hbm>>) dst(%arg12 : memref<4x4096xf32, #tpu.memory_space<vmem>>)
    return
  }
}

</mosaic_0001>

<sc_bundles>
// kernel: _embed.3.cloned.1.call-start
scs
__scs_entry_jumppad:
0x0: {  	(pc) =	sbr.rel $0x88, $3  }
0x1: {  	(tag) =	ssettag $0x0;
	lr =	simm.s32 $0x1  }
0x2: {  	[smem:$0x3F9E] =	sst lr;
	_ =	strace $0xD0000000  }
0x3: {  	_ = 	snop  }
0x4: {  	_ = 	snop  }
0x5: {  	_ = 	snop  }
0x6: {  	_ = 	snop  }
0x7: {  	_ = 	snop  }
__scs_overlays_trampoline_lowered:
0x8: {  	[smem:$0x3FAD] =	sst s0  }
0x9: {  	[smem:$0x3FAE] =	sst s1  }
0xa: {  	[smem:$0x3FAF] =	sst s2  }
0xb: {  	[smem:$0x3FB0] =	sst s3  }
0xc: {  	[smem:$0x3FB1] =	sst s4  }
0xd: {  	[smem:$0x3FB2] =	sst s5  }
0xe: {  	[smem:$0x3FB3] =	sst s6  }
0xf: {  	[smem:$0x3FB4] =	sst s7  }
0x10: {  	[smem:$0x3FB5] =	sst s8  }
0x11: {  	[smem:$0x3FB6] =	sst s9;
	s0 =	simm.s32 @!p0 $0x0  }
0x12: {  	s1 =	sld [smem:$0x3F9C];
	s0 =	simm.s32 @p0 $0x1  }
0x13: {  	[smem:$0x3FB7] =	sst s0;
	s0 =	simm.s32 @!p1 $0x0  }
0x14: {  	s2 =	sld [smem:$0x3F9B];
	s0 =	simm.s32 @p1 $0x1  }
0x15: {  	[smem:$0x3FB8] =	sst s0;
	s0 =	simm.s32 @!p2 $0x0  }
0x16: {  	s3 =	sld [smem:$0x3FDB];
	s0 =	simm.s32 @p2 $0x1  }
0x17: {  	s4 =	simm.s32 $0x1BF5;
	[smem:$0x3FBA] =	sst s0  }
0x18: {  	s0 =	sld [smem:$0x3F9D];
	_ =	swait.ge [sflag:s4], $0x0  }
0x19: {  	s7 =	sld [smem:$0x3F9E]  }
0x1a: {  	s8 =	sadd.s32 $0xFFFFE003, lr  }
0x1b: {  	s9 =	sadd.s32 $0xFFFFFEF7, lr;
	s5 =	simm.s32 $0xFFFFFFFF;
	p2 =	slt.u32 s8, $0xFFFFF086  }
0x1c: {  	p1 =	slt.u32 s9, $0xF7A;
	s5 =	simm.s32 @!p2 $0x0  }
0x1d: {  	s5 =	simm.s32 @p1 $0x1;
	p0 =	seq.s32 s7, s2  }
0x1e: {  	s7 =	smul.u32 @!p0 $0xF7A, s2;
	p2 =	seq.s32 @!p0 s5, $0x0  }
0x1f: {  	s9 =	smul.u32 $0xF7A, s1;
	s8 =	simm.s32 @!p0 $0x1BF5;
	p2 =	por !p2, p0  }
0x20: {  	[sflag:s8] =	ssyncset.s32 @!p0 $0xFFFFF086;
	s6 =	sadd.s32 @!p0 s3, s7;
	s7 =	simm.s32 @!p0 $0x108  }
0x21: {  	s3 =	sadd.s32 s3, s9;
	s6 =	sadd.s32 @!p0 $0x88, s6;
	s7 =	simm.s32 @p2 $0x1082  }
0x22: {  	[simem:s7], [sflag:s8] =	dma.local @!p0 [hbm:s6], $0xF7A  }
0x23: {  	s9 =	sor.u32 $0xD0000000, s2;
	s6 =	simm.s32 $0x108;
	_ =	swait.ge @!p0 [sflag:s8], $0x0  }
0x24: {  	s3 =	sadd.s32 $0x88, s3;
	s6 =	simm.s32 @!p1 $0x1082;
	[sflag:s4] =	ssyncset.s32 $0xFFFFF086  }
0x25: {  	[simem:s6], [sflag:s4] =	dma.local [hbm:s3], $0xF7A  }
0x26: {  	[smem:$0x3F9E] =	sst s1;
	(tag) =	ssettag s2;
	_ =	strace s9  }
0x27: {  	s1 =	sld [smem:$0x3FAE]  }
0x28: {  	s2 =	sld [smem:$0x3FAF]  }
0x29: {  	s4 =	sld [smem:$0x3FB1]  }
0x2a: {  	p0 =	seq.s32 s5, $0x0;
	s5 =	sld [smem:$0x3FB2]  }
0x2b: {  	s6 =	sld [smem:$0x3FB3]  }
0x2c: {  	s7 =	sld [smem:$0x3FB4]  }
0x2d: {  	s3 =	simm.s32 $0x108;
	s8 =	sld [smem:$0x3FB5]  }
0x2e: {  	s3 =	simm.s32 @!p0 $0x1082;
	s9 =	sld [smem:$0x3FB6]  }
0x2f: {  	lr =	sadd.s32 s0, s3;
	s0 =	sld [smem:$0x3FAD]  }
0x30: {  	s3 =	sld [smem:$0x3FB0]  }
0x31: {  	[smem:$0x3FB9] =	sst s10  }
0x32: {  	s10 =	sld [smem:$0x3FB7];
	_ =	sdelay $0x3  }
0x33: {  	p0 =	seq.s32 s10, $0x1;
	s10 =	sld [smem:$0x3FB9];
	_ =	sdelay $0x3  }
0x34: {  	[smem:$0x3FB9] =	sst s10  }
0x35: {  	s10 =	sld [smem:$0x3FB8];
	_ =	sdelay $0x3  }
0x36: {  	p1 =	seq.s32 s10, $0x1;
	s10 =	sld [smem:$0x3FB9];
	_ =	sdelay $0x3  }
0x37: {  	[smem:$0x3FB9] =	sst s10  }
0x38: {  	s10 =	sld [smem:$0x3FBA]  }
0x39: {  	_ = 	snop;
	(pc) =	sbr.ind lr, $3  }
0x3a: {  	_ = 	snop  }
0x3b: {  	_ = 	snop  }
0x3c: {  	p2 =	seq.s32 s10, $0x1;
	s10 =	sld [smem:$0x3FB9]  }
0x3d: {  	_ =	shalt  }
0x3e: {  	_ =	shalt  }
0x3f: {  	_ =	shalt  }
0x40: {  	_ =	shalt  }
0x41: {  	_ =	shalt  }
0x42: {  	_ =	shalt  }
0x43: {  	_ =	shalt  }
0x44: {  	_ =	shalt  }
0x45: {  	_ =	shalt  }
0x46: {  	_ =	shalt  }
0x47: {  	_ =	shalt  }
0x48: {  	_ =	shalt  }
0x49: {  	_ =	shalt  }
0x4a: {  	_ =	shalt  }
0x4b: {  	_ =	shalt  }
0x4c: {  	_ =	shalt  }
0x4d: {  	_ =	shalt  }
0x4e: {  	_ =	shalt  }
0x4f: {  	_ =	shalt  }
0x50: {  	_ =	shalt  }
0x51: {  	_ =	shalt  }
0x52: {  	_ =	shalt  }
0x53: {  	_ =	shalt  }
0x54: {  	_ =	shalt  }
0x55: {  	_ =	shalt  }
0x56: {  	_ =	shalt  }
0x57: {  	_ =	shalt  }
0x58: {  	_ =	shalt  }
0x59: {  	_ =	shalt  }
0x5a: {  	_ =	shalt  }
0x5b: {  	_ =	shalt  }
0x5c: {  	_ =	shalt  }
0x5d: {  	_ =	shalt  }
0x5e: {  	_ =	shalt  }
0x5f: {  	_ =	shalt  }
0x60: {  	_ =	shalt  }
0x61: {  	_ =	shalt  }
0x62: {  	_ =	shalt  }
0x63: {  	_ =	shalt  }
0x64: {  	_ =	shalt  }
0x65: {  	_ =	shalt  }
0x66: {  	_ =	shalt  }
0x67: {  	_ =	shalt  }
0x68: {  	_ =	shalt  }
0x69: {  	_ =	shalt  }
0x6a: {  	_ =	shalt  }
0x6b: {  	_ =	shalt  }
0x6c: {  	_ =	shalt  }
0x6d: {  	_ =	shalt  }
0x6e: {  	_ =	shalt  }
0x6f: {  	_ =	shalt  }
0x70: {  	_ =	shalt  }
0x71: {  	_ =	shalt  }
0x72: {  	_ =	shalt  }
0x73: {  	_ =	shalt  }
0x74: {  	_ =	shalt  }
0x75: {  	_ =	shalt  }
0x76: {  	_ =	shalt  }
0x77: {  	_ =	shalt  }
0x78: {  	_ =	shalt  }
0x79: {  	_ =	shalt  }
0x7a: {  	_ =	shalt  }
0x7b: {  	_ =	shalt  }
0x7c: {  	_ =	shalt  }
0x7d: {  	_ =	shalt  }
0x7e: {  	_ =	shalt  }
0x7f: {  	_ =	shalt  }
0x80: {  	_ =	shalt  }
0x81: {  	_ =	shalt  }
0x82: {  	_ =	shalt  }
0x83: {  	_ =	shalt  }
0x84: {  	_ =	shalt  }
0x85: {  	_ =	shalt  }
0x86: {  	_ =	shalt  }
0x87: {  	_ =	shalt  }
.Lfunc_end0:
.L_simem_size_0:
called_computation_lowered:
.L_overlay_start_0:
0x88: {  	s2 =	sld [smem:$0x3FD9]  }
0x89: {  	s3 =	sld [smem:$0x3FFE];
	_ =	sdelay $0x1  }
0x8a: {  	s1 =	srdreg.scid  }
0x8b: {  	s0 =	sand.u32 $0x1, s1  }
0x8c: {  	s18 =	sshll.u32 s0, $0xA;
	s2 =	sadd.s32 s3, s2  }
0x8d: {  	s2 =	sadd.s32 s2, s18  }
0x8e: {  	[smem:$0x3FC5] =	sst s2  }
0x8f: {  	_ = 	snop  }
0x90: {  	s2 =	sld [smem:$0x3FC9]  }
0x91: {  	s19 =	sld [smem:$0x3FC8]  }
0x92: {  	s4 =	sld [smem:$0x3FC7]  }
0x93: {  	s5 =	sld [smem:$0x3FD0];
	(tm) =	ssettm $0x1  }
0x94: {  	s6 =	sld [smem:$0x3FFB];
	_ =	sdelay $0x3  }
0x95: {  	_ =	strace s6  }
0x96: {  	s6 =	sld [smem:$0x3FFC];
	_ =	sdelay $0x3  }
0x97: {  	_ =	strace s6  }
0x98: {  	s6 =	sld [smem:$0x3FFD];
	_ =	sdelay $0x3  }
0x99: {  	_ =	strace s6  }
0x9a: {  	_ =	strace $0x8FFFFFFF  }
0x9b: {  	s20 =	sld [smem:$0x3FDB];
	_ =	sdelay $0x1  }
0x9c: {  	s7 =	simm.s32 $_scs_section_size  }
0x9d: {  	s8 =	simm.s32 $_size__tile_overlayer_lowered;
	s9 =	simm.s32 $_tile_overlayer_lowered  }
0x9e: {  	s23 =	simm.s32 $0x1BFF;
	s22 =	sshll.u32 s9, $0x1;
	s6 =	sadd.s32 s7, s20  }
0x9f: {  	s10 =	simm.s32 $0x0;
	s21 =	sshll.u32 s8, $0x1;
	s8 =	sadd.s32 s22, s6  }
0xa0: {  	[timem:s10], [sflag:s23] =	dma.local [hbm:s8], s21  }
0xa1: {  	_ =	swait.ge [sflag:s23], s21  }
0xa2: {  	s7 =	ssub.s32 $0x0, s21;
	[sflag:s23] =	ssyncset.done $0x0  }
0xa3: {  	[sflag:s23] =	ssyncadd.s32 s7;
	_ =	sdelay $0x1  }
0xa4: {  	s24 =	simm.s32 $0x1B8B  }
0xa5: {  	_ =	swait.ge [sflag:s24], $0x1  }
0xa6: {  	[sflag:s24] =	ssyncset.done $0x0  }
0xa7: {  	s25 =	simm.s32 $0x1B8E;
	[sflag:s24] =	ssyncadd.s32 $0xFFFFFFFF  }
0xa8: {  	s26 =	simm.s32 $execute0_lowered;
	[smem:$0x3FD2] =	sst s25  }
0xa9: {  	s7 =	sshll.u32 s26, $0x1;
	_ =	strace $0x80000046;
	[dreg:$0x1] =	wrdreg $0xFFFFFFFF  }
0xaa: {  	s28 =	simm.s32 $_size_execute0_lowered;
	s6 =	sadd.s32 s6, s7;
	[dreg:$0x0] =	wrdreg $0x0  }
0xab: {  	s7 =	sshll.u32 s28, $0x1;
	[dreg:$0x2] =	wrdreg s6  }
0xac: {  	[dreg:$0x3] =	wrdreg s7  }
0xad: {  	[dreg:$0x4] =	wrdreg $0xC0  }
0xae: {  	_ =	task [dreg:s10], $0x5FFFF  }
0xaf: {  	[dreg:$0x1] =	wrdreg $0xFFFFFFFF  }
0xb0: {  	[dreg:$0x0] =	wrdreg $0x60  }
0xb1: {  	[dreg:$0x2] =	wrdreg s2  }
0xb2: {  	[dreg:$0x3] =	wrdreg s19  }
0xb3: {  	[dreg:$0x4] =	wrdreg s4  }
0xb4: {  	[dreg:$0x5] =	wrdreg s5  }
0xb5: {  	[dreg:$0x6] =	wrdreg $0x9  }
0xb6: {  	_ =	task.clear_ibuf [dreg:s10], $0x7FFFF;
	_ =	strace $0x90000046  }
0xb7: {  	s29 =	simm.s32 $0x9;
	_ =	strace $0x80000048  }
0xb8: {  	_ =	swait.ge [sflag:s29], $0x1  }
0xb9: {  	[sflag:s29] =	ssyncadd.s32 $0xFFFFFFFF  }
0xba: {  	_ =	strace $0x90000048  }
0xbb: {  	_ =	sfence  }
0xbc: {  	s30 =	sld [smem:$0x0];
	_ =	sdelay $0x2  }
0xbd: {  	s31 =	sshll.u32 s1, $0xD;
	s1 =	sshrl.u32 s1, $0x2  }
0xbe: {  	s3 =	sand.u32 $0x4000, s31;
	s1 =	sadd.s32 s1, s30  }
0xbf: {  	s0 =	sor.u32 s3, s0;
	s1 =	sshll.u32 s1, $0x11  }
0xc0: {  	s0 =	sor.u32 s1, s0  }
0xc1: {  	s0 =	sadd.s32 $0x8F2B, s0  }
0xc2: {  	[sflag:s0] =	ssyncadd.remote.s32 $0x1  }
0xc3: {  	_ =	sfence.sel $0xFFFF  }
0xc4: {  	[dreg:$0x0] =	wrdreg $0xFFFFFFFF;
	(pc) =	sbr.abs _section_cstart, $3  }
0xc5: {  	[dreg:$0x1] =	wrdreg $0xFFFFFFFF  }
0xc6: {  	_ =	task.clear_ibuf [dreg:s10], $0x2FFFF;
	_ =	strace $0x9FFFFFFF  }
0xc7: {  	(tm) =	ssettm $0x7FFFFFFF  }
tec
execute0_lowered:
.L_overlay_start_1:
0x0: {  	(tag) =	ssettag $0x1  }
0x1: {  	s0 =	rddreg [dreg:$0x0]  }
0x2: {  	s1 =	rddreg [dreg:$0x1]  }
0x3: {  	s6 =	rddreg [dreg:$0x2]  }
0x4: {  	s7 =	rddreg [dreg:$0x3];
	s2 =	srdreg.scid  }
0x5: {  	s3 =	stileid.u32;
	s5 =	simm.s32 $0x0;
	s31 =	simm.s32 $0x200  }
0x6: {  	s29 =	simm.s32 $0x2;
	s10 =	simm.s32 $0x4;
	s2 =	sand.u32 $0x1, s2  }
0x7: {  	s3 =	sshll.u32 s3, $0x8;
	[smem:$0x7FF] =	sst s5;
	s22 =	sadd.s32 $0x200000, s7  }
0x8: {  	s23 =	sadd.s32 $0x400000, s7;
	_ =	strace $0x80000047;
	[dreg:$0xc] =	wrdreg s22  }
0x9: {  	s13 =	sadd.s32 $0x200, s1;
	s24 =	sadd.s32 $0x600000, s7;
	[dreg:$0xd] =	wrdreg s23  }
0xa: {  	s14 =	sadd.s32 $0x400, s1;
	s25 =	sadd.s32 $0x40, s7;
	[dreg:$0xe] =	wrdreg s24  }
0xb: {  	s15 =	sadd.s32 $0x600, s1;
	s26 =	sadd.s32 $0x200040, s7;
	[dreg:$0xf] =	wrdreg s25  }
0xc: {  	s16 =	sadd.s32 $0x800, s1;
	s28 =	sadd.s32 $0x400040, s7;
	[dreg:$0x10] =	wrdreg s26  }
0xd: {  	s30 =	sadd.s32 $0x600040, s7;
	s4 =	sshll.u32 s2, $0x7;
	[dreg:$0x12] =	wrdreg s28  }
0xe: {  	s2 =	ssub.s32 $0x2, s2;
	[dreg:$0x13] =	wrdreg s30;
	s8 =	sor.u32 s4, s3  }
0xf: {  	s22 =	simm.s32 $0x7200;
	s17 =	sshrl.u32 s2, $0x1;
	s3 =	sshrl.u32 s8, $0x1  }
0x10: {  	[dreg:$0x5] =	wrdreg s8;
	s2 =	ssub.s32 s2, s17;
	s3 =	sadd.s32 s0, s3  }
0x11: {  	s18 =	sshll.u32 s8, $0x9;
	s2 =	smax.u32 s2, $0x1;
	[dreg:$0x6] =	wrdreg s3  }
0x12: {  	s23 =	simm.s32 $0x7A00;
	s0 =	sadd.s32 s6, s18;
	[dreg:$0x11] =	wrdreg s2  }
0x13: {  	s24 =	simm.s32 $0x1;
	s19 =	sadd.s32 $0x10, s3;
	[dreg:$0x8] =	wrdreg s0  }
0x14: {  	s26 =	simm.s32 $0xC200;
	s20 =	sadd.s32 $0x20, s3;
	[dreg:$0x7] =	wrdreg s19  }
0x15: {  	s4 =	simm.s32 $0x0;
	s3 =	sadd.s32 $0x30, s3;
	[dreg:$0x9] =	wrdreg s20  }
0x16: {  	s17 =	sadd.s32 $0xA00, s1;
	s21 =	sadd.s32 $0x40, s0;
	[dreg:$0xa] =	wrdreg s3  }
0x17: {  	v0 =	vlaneseq.u32;
	s18 =	sadd.s32 $0xC00, s1;
	s0 =	sadd.s32 $0x1040, s0;
	[dreg:$0xb] =	wrdreg s21  }
0x18: {  	v1 =	vshrl.u32 v0, $0x2;
	s6 =	simm.s32 $0x3;
	s19 =	sadd.s32 $0xE00, s1;
	[dreg:$0x14] =	wrdreg s0  }
0x19: {  	vm0 =	vmmov $0xffff;
	v0 =	vand.u32 $0x3, v0;
	v1 =	vmul.u32 $0x8, v1;
	s0 =	simm.s32 $0x400;
	s20 =	simm.s32 $0x6200;
	s21 =	simm.s32 $0x6A00  }
.LBB2_1:
0x1a: {  	[dreg:$0x15] =	wrdreg s4  }
0x1b: {  	s2 =	rddreg [dreg:$0x6];
	s3 =	simm.s32 $0x7  }
0x1c: {  	[tilespmem:s5], [sflag:$0x7] =	stream.linear.gather [hbm4b:s2+s5], $0x80, $0x38;
	[tilespmem:$0x18200] =	vst v63  }
0x1d: {  	_ =	swait.ge [sflag:s3], $0x80  }
0x1e: {  	[sflag:s3] =	ssyncset.done $0x0  }
0x1f: {  	s30 =	simm.s32 $0x80;
	s28 =	rddreg [dreg:$0x7];
	[sflag:s3] =	ssyncadd.s32 $0xFFFFFF80  }
0x20: {  	[tilespmem:s30], [sflag:$0x7] =	stream.linear.gather [hbm4b:s28+s5], $0x80, $0x38;
	[tilespmem:$0x18200] =	vst v63  }
0x21: {  	_ =	swait.ge [sflag:s3], $0x80  }
0x22: {  	[sflag:s3] =	ssyncset.done $0x0  }
0x23: {  	s7 =	simm.s32 $0x100;
	s4 =	rddreg [dreg:$0x9];
	[sflag:s3] =	ssyncadd.s32 $0xFFFFFF80  }
0x24: {  	[tilespmem:s7], [sflag:$0x7] =	stream.linear.gather [hbm4b:s4+s5], $0x80, $0x38;
	[tilespmem:$0x18200] =	vst v63  }
0x25: {  	_ =	swait.ge [sflag:s3], $0x80  }
0x26: {  	[sflag:s3] =	ssyncset.done $0x0  }
0x27: {  	s9 =	simm.s32 $0x180;
	s8 =	rddreg [dreg:$0xa];
	[sflag:s3] =	ssyncadd.s32 $0xFFFFFF80  }
0x28: {  	[tilespmem:s9], [sflag:$0x7] =	stream.linear.gather [hbm4b:s8+s5], $0x80, $0x38;
	[tilespmem:$0x18200] =	vst v63  }
0x29: {  	_ =	swait.ge [sflag:s3], $0x80  }
0x2a: {  	[sflag:s3] =	ssyncset.done $0x0  }
0x2b: {  	s12 =	simm.s32 $0x10200;
	s11 =	rddreg [dreg:$0x8];
	[sflag:s3] =	ssyncadd.s32 $0xFFFFFF80  }
0x2c: {  	[tilespmem:s12], [sflag:$0x5] =	stream.strided.gather [hbm4b:s11+s31], $0x4000, s0, s31, $0x38;
	[tilespmem:$0x18200] =	vst v63  }
0x2d: {  	s28 =	simm.s32 $0x14200;
	s25 =	rddreg [dreg:$0xb]  }
0x2e: {  	[tilespmem:s28], [sflag:$0x6] =	stream.strided.gather [hbm4b:s25+s31], $0x4000, s0, s31, $0x38;
	[tilespmem:$0x18200] =	vst v63  }
0x2f: {  	v2 =	vld.msk [tilespmem:$0x0], $0xf;
	_ =	sdelay $0x4  }
0x30: {  	v3 =	vshll.u32 v2, $0x5  }
0x31: {  	v2 =	vand.u32 $0x7, v2;
	v3 =	vand.u32 $0xFFFFFF00, v3  }
0x32: {  	v2 =	vor.u32 v2, v3  }
0x33: {  	v2 =	vperm.xlane v2, v0;
	_ =	sdelay $0x1  }
0x34: {  	v2 =	vadd.s32 v1, v2;
	_ =	sdelay $0x4  }
0x35: {  	[tilespmem:s31], [sflag:$0x1] =	stream.indirect_vreg.gather [hbm4b:s1+s5], $0x80, v2, vm0, $0xb8;
	[tilespmem:$0x18200] =	vst v63  }
0x36: {  	s30 =	simm.s32 $0xA00  }
0x37: {  	[tilespmem:s30], [sflag:$0x1] =	stream.indirect_vreg.gather [hbm4b:s13+s5], $0x80, v2, vm0, $0xb8;
	[tilespmem:$0x18200] =	vst v63  }
0x38: {  	s3 =	simm.s32 $0x1200  }
0x39: {  	[tilespmem:s3], [sflag:$0x1] =	stream.indirect_vreg.gather [hbm4b:s14+s5], $0x80, v2, vm0, $0xb8;
	[tilespmem:$0x18200] =	vst v63  }
0x3a: {  	s4 =	simm.s32 $0x1A00  }
0x3b: {  	[tilespmem:s4], [sflag:$0x1] =	stream.indirect_vreg.gather [hbm4b:s15+s5], $0x80, v2, vm0, $0xb8;
	[tilespmem:$0x18200] =	vst v63  }
0x3c: {  	s7 =	simm.s32 $0x2200  }
0x3d: {  	[tilespmem:s7], [sflag:$0x1] =	stream.indirect_vreg.gather [hbm4b:s16+s5], $0x80, v2, vm0, $0xb8;
	[tilespmem:$0x18200] =	vst v63  }
0x3e: {  	s8 =	simm.s32 $0x2A00  }
0x3f: {  	[tilespmem:s8], [sflag:$0x1] =	stream.indirect_vreg.gather [hbm4b:s17+s5], $0x80, v2, vm0, $0xb8;
	[tilespmem:$0x18200] =	vst v63  }
0x40: {  	s9 =	simm.s32 $0x3200  }
0x41: {  	[tilespmem:s9], [sflag:$0x1] =	stream.indirect_vreg.gather [hbm4b:s18+s5], $0x80, v2, vm0, $0xb8;
	[tilespmem:$0x18200] =	vst v63  }
0x42: {  	s11 =	simm.s32 $0x3A00  }
0x43: {  	[tilespmem:s11], [sflag:$0x1] =	stream.indirect_vreg.gather [hbm4b:s19+s5], $0x80, v2, vm0, $0xb8;
	[tilespmem:$0x18200] =	vst v63  }
0x44: {  	v2 =	vld.msk [tilespmem:$0x80], $0xf;
	_ =	sdelay $0x4  }
0x45: {  	v3 =	vshll.u32 v2, $0x5  }
0x46: {  	v2 =	vand.u32 $0x7, v2;
	v3 =	vand.u32 $0xFFFFFF00, v3  }
0x47: {  	v2 =	vor.u32 v2, v3  }
0x48: {  	v2 =	vperm.xlane v2, v0;
	_ =	sdelay $0x1  }
0x49: {  	v2 =	vadd.s32 v1, v2;
	_ =	sdelay $0x3  }
0x4a: {  	s12 =	simm.s32 $0x4200  }
0x4b: {  	[tilespmem:s12], [sflag:$0x2] =	stream.indirect_vreg.gather [hbm4b:s1+s5], $0x80, v2, vm0, $0xb8;
	[tilespmem:$0x18200] =	vst v63  }
0x4c: {  	s25 =	simm.s32 $0x4A00  }
0x4d: {  	[tilespmem:s25], [sflag:$0x2] =	stream.indirect_vreg.gather [hbm4b:s13+s5], $0x80, v2, vm0, $0xb8;
	[tilespmem:$0x18200] =	vst v63  }
0x4e: {  	s28 =	simm.s32 $0x5200  }
0x4f: {  	[tilespmem:s28], [sflag:$0x2] =	stream.indirect_vreg.gather [hbm4b:s14+s5], $0x80, v2, vm0, $0xb8;
	[tilespmem:$0x18200] =	vst v63  }
0x50: {  	s30 =	simm.s32 $0x5A00  }
0x51: {  	[tilespmem:s30], [sflag:$0x2] =	stream.indirect_vreg.gather [hbm4b:s15+s5], $0x80, v2, vm0, $0xb8;
	[tilespmem:$0x18200] =	vst v63  }
0x52: {  	_ = 	snop  }
0x53: {  	[tilespmem:s20], [sflag:$0x2] =	stream.indirect_vreg.gather [hbm4b:s16+s5], $0x80, v2, vm0, $0xb8;
	[tilespmem:$0x18200] =	vst v63  }
0x54: {  	_ = 	snop  }
0x55: {  	[tilespmem:s21], [sflag:$0x2] =	stream.indirect_vreg.gather [hbm4b:s17+s5], $0x80, v2, vm0, $0xb8;
	[tilespmem:$0x18200] =	vst v63  }
0x56: {  	_ = 	snop  }
0x57: {  	[tilespmem:s22], [sflag:$0x2] =	stream.indirect_vreg.gather [hbm4b:s18+s5], $0x80, v2, vm0, $0xb8;
	[tilespmem:$0x18200] =	vst v63  }
0x58: {  	s11 =	simm.s32 $0x0  }
0x59: {  	[tilespmem:s23], [sflag:$0x2] =	stream.indirect_vreg.gather [hbm4b:s19+s5], $0x80, v2, vm0, $0xb8;
	[tilespmem:$0x18200] =	vst v63  }
.LBB2_2:
0x5a: {  	_ =	swait.ge [sflag:s24], $0x4000  }
0x5b: {  	[sflag:s24] =	ssyncset.done $0x0  }
0x5c: {  	s2 =	simm.s32 $0x5;
	[sflag:s24] =	ssyncadd.s32 $0xFFFFC000  }
0x5d: {  	_ =	swait.ge [sflag:s2], $0x4000  }
0x5e: {  	p0 =	seq.s32 s11, $0x0;
	[sflag:s2] =	ssyncset.done $0x0  }
0x5f: {  	[sflag:s2] =	ssyncadd.s32 $0xFFFFC000;
	s2 =	simm.s32 @!p0 $0x3  }
0x60: {  	s3 =	simm.s32 $0x0;
	_ =	swait.ge @!p0 [sflag:s2], $0x4000  }
0x61: {  	s4 =	sand.u32 $0x70, s3;
	s3 =	sand.u32 $0x3E00, s3;
	[sflag:s2] =	ssyncset.done @!p0 $0x0  }
0x62: {  	s9 =	sor.u32 s4, s3;
	[sflag:s2] =	ssyncadd.s32 @!p0 $0xFFFFC000  }
0x63: {  	v6 =	vld [tilespmem:s9+$0x380]  }
0x64: {  	v7 =	vld [tilespmem:s9+$0x200]  }
0x65: {  	v4 =	vld [tilespmem:s9+$0x10380]  }
0x66: {  	s7 =	sshll.u32 s11, $0x3;
	v3 =	vld [tilespmem:s9+$0x280]  }
0x67: {  	s12 =	sshll.u32 s11, $0x1;
	s28 =	simm.s32 $0x10;
	s25 =	rddreg [dreg:$0x5];
	v2 =	vld [tilespmem:s9+$0x300]  }
0x68: {  	s30 =	simm.s32 $0x40;
	s4 =	sand.u32 $0x70, s28;
	s2 =	sor.u32 s25, s7;
	v5 =	vld [tilespmem:s9+$0x10200];
	v8 =	vmul.f32 $6.400000000e+01, v6  }
0x69: {  	s3 =	simm.s32 $0x20;
	s25 =	sshll.u32 s2, $0x9;
	s2 =	sand.u32 $0x3E00, s30;
	v7 =	vmul.f32 $6.400000000e+01, v7;
	v6 =	vld [tilespmem:s9+$0x10280]  }
.LBB2_3:
0x6a: {  	p1 =	sne.s32 s3, $0xFF0;
	v9 =	vld [tilespmem:s9+$0x10300];
	v4 =	vadd.f32 v4, v8;
	s28 =	smov.u32 s9;
	s9 =	sor.u32 s4, s2  }
0x6b: {  	v8 =	vld [tilespmem:s9+$0x380];
	v10 =	vmul.f32 $6.400000000e+01, v3  }
0x6c: {  	v11 =	vld [tilespmem:s9+$0x200];
	v12 =	vmul.f32 $6.400000000e+01, v2;
	[tilespmem:s28+$0x8380] =	vst v4  }
.Ltmp0:
0x6d: {  	v4 =	vld [tilespmem:s9+$0x10380];
	v5 =	vadd.f32 v5, v7;
	(pc) =	sbr.rel @p1 .LBB2_3-.Ltmp0, $4  }
0x6e: {  	v3 =	vld [tilespmem:s9+$0x280];
	v6 =	vadd.f32 v6, v10  }
0x6f: {  	v2 =	vld [tilespmem:s9+$0x300];
	[tilespmem:s28+$0x8200] =	vst v5;
	v9 =	vadd.f32 v9, v12  }
0x70: {  	s30 =	sadd.s32 $0x40, s30;
	v5 =	vld [tilespmem:s9+$0x10200];
	v8 =	vmul.f32 $6.400000000e+01, v8;
	[tilespmem:s28+$0x8280] =	vst v6  }
0x71: {  	s4 =	sand.u32 $0x70, s3;
	s3 =	sadd.s32 $0x10, s3;
	s2 =	sand.u32 $0x3E00, s30;
	v7 =	vmul.f32 $6.400000000e+01, v11;
	v6 =	vld [tilespmem:s9+$0x10280];
	[tilespmem:s28+$0x8300] =	vst v9  }
0x72: {  	s2 =	sor.u32 s4, s2;
	v9 =	vld [tilespmem:s9+$0x10300];
	v4 =	vadd.f32 v4, v8  }
0x73: {  	v8 =	vld [tilespmem:s2+$0x380]  }
0x74: {  	v10 =	vld [tilespmem:s2+$0x200];
	v3 =	vmul.f32 $6.400000000e+01, v3;
	[tilespmem:s9+$0x8380] =	vst v4  }
0x75: {  	v2 =	vmul.f32 $6.400000000e+01, v2;
	v4 =	vld [tilespmem:s2+$0x10380];
	v5 =	vadd.f32 v5, v7  }
0x76: {  	v7 =	vld [tilespmem:s2+$0x280];
	v3 =	vadd.f32 v6, v3  }
0x77: {  	v11 =	vld [tilespmem:s2+$0x300];
	[tilespmem:s9+$0x8200] =	vst v5;
	v2 =	vadd.f32 v9, v2  }
0x78: {  	v5 =	vld [tilespmem:s2+$0x10200];
	[tilespmem:s9+$0x8280] =	vst v3  }
0x79: {  	v3 =	vld [tilespmem:s2+$0x10280];
	[tilespmem:s9+$0x8300] =	vst v2  }
0x7a: {  	v2 =	vmul.f32 $6.400000000e+01, v8;
	v6 =	vld [tilespmem:s2+$0x10300]  }
0x7b: {  	v8 =	vmul.f32 $6.400000000e+01, v10  }
0x7c: {  	v2 =	vadd.f32 v4, v2;
	v4 =	vmul.f32 $6.400000000e+01, v7  }
0x7d: {  	v7 =	vmul.f32 $6.400000000e+01, v11;
	v5 =	vadd.f32 v5, v8  }
0x7e: {  	[tilespmem:s2+$0x8380] =	vst v2;
	v2 =	vadd.f32 v3, v4  }
0x7f: {  	[tilespmem:s2+$0x8200] =	vst v5;
	v3 =	vadd.f32 v6, v7  }
0x80: {  	s28 =	rddreg [dreg:$0x3];
	[tilespmem:s2+$0x8280] =	vst v2  }
0x81: {  	s3 =	simm.s32 $0x8200;
	[tilespmem:s2+$0x8300] =	vst v3;
	s2 =	sadd.s32 s28, s25  }
0x82: {  	[hbm4b:s2+s31] =	stream.strided.scatter [tilespmem:s3], [sflag:$0x3], $0x4000, s0, s31, $0x38;
	[tilespmem:$0x18200] =	vst v63  }
0x83: {  	v2 =	vld.msk [tilespmem:s7+$0x100], $0xf;
	_ =	sdelay $0x4  }
0x84: {  	v3 =	vshll.u32 v2, $0x5  }
0x85: {  	v2 =	vand.u32 $0x7, v2;
	v3 =	vand.u32 $0xFFFFFF00, v3  }
0x86: {  	v2 =	vor.u32 v2, v3  }
0x87: {  	v2 =	vperm.xlane v2, v0;
	_ =	sdelay $0x1  }
0x88: {  	v2 =	vadd.s32 v1, v2;
	_ =	sdelay $0x4  }
0x89: {  	[tilespmem:s31], [sflag:$0x1] =	stream.indirect_vreg.gather [hbm4b:s1+s5], $0x80, v2, vm0, $0xb8;
	[tilespmem:$0x18200] =	vst v63  }
0x8a: {  	s3 =	simm.s32 $0xA00  }
0x8b: {  	[tilespmem:s3], [sflag:$0x1] =	stream.indirect_vreg.gather [hbm4b:s13+s5], $0x80, v2, vm0, $0xb8;
	[tilespmem:$0x18200] =	vst v63  }
0x8c: {  	s4 =	simm.s32 $0x1200  }
0x8d: {  	[tilespmem:s4], [sflag:$0x1] =	stream.indirect_vreg.gather [hbm4b:s14+s5], $0x80, v2, vm0, $0xb8;
	[tilespmem:$0x18200] =	vst v63  }
0x8e: {  	s8 =	simm.s32 $0x1A00  }
0x8f: {  	[tilespmem:s8], [sflag:$0x1] =	stream.indirect_vreg.gather [hbm4b:s15+s5], $0x80, v2, vm0, $0xb8;
	[tilespmem:$0x18200] =	vst v63  }
0x90: {  	s9 =	simm.s32 $0x2200  }
0x91: {  	[tilespmem:s9], [sflag:$0x1] =	stream.indirect_vreg.gather [hbm4b:s16+s5], $0x80, v2, vm0, $0xb8;
	[tilespmem:$0x18200] =	vst v63  }
0x92: {  	s28 =	simm.s32 $0x2A00  }
0x93: {  	[tilespmem:s28], [sflag:$0x1] =	stream.indirect_vreg.gather [hbm4b:s17+s5], $0x80, v2, vm0, $0xb8;
	[tilespmem:$0x18200] =	vst v63  }
0x94: {  	s3 =	simm.s32 $0x3200  }
0x95: {  	[tilespmem:s3], [sflag:$0x1] =	stream.indirect_vreg.gather [hbm4b:s18+s5], $0x80, v2, vm0, $0xb8;
	[tilespmem:$0x18200] =	vst v63  }
0x96: {  	s4 =	simm.s32 $0x3A00  }
0x97: {  	[tilespmem:s4], [sflag:$0x1] =	stream.indirect_vreg.gather [hbm4b:s19+s5], $0x80, v2, vm0, $0xb8;
	[tilespmem:$0x18200] =	vst v63  }
0x98: {  	_ =	swait.ge [sflag:s29], $0x4000  }
0x99: {  	[sflag:s29] =	ssyncset.done $0x0  }
0x9a: {  	s2 =	simm.s32 @!p0 $0x4;
	[sflag:s29] =	ssyncadd.s32 $0xFFFFC000  }
0x9b: {  	s8 =	simm.s32 $0x0;
	_ =	swait.ge @!p0 [sflag:s2], $0x4000  }
0x9c: {  	s9 =	sand.u32 $0x70, s8;
	s3 =	sand.u32 $0x3E00, s8;
	[sflag:s2] =	ssyncset.done @!p0 $0x0  }
0x9d: {  	s9 =	sor.u32 s9, s3;
	[sflag:s2] =	ssyncadd.s32 @!p0 $0xFFFFC000  }
0x9e: {  	v6 =	vld [tilespmem:s9+$0x4380]  }
0x9f: {  	v7 =	vld [tilespmem:s9+$0x4200]  }
0xa0: {  	v5 =	vld [tilespmem:s9+$0x10380]  }
0xa1: {  	v3 =	vld [tilespmem:s9+$0x4280]  }
0xa2: {  	v2 =	vld [tilespmem:s9+$0x4300]  }
0xa3: {  	s30 =	simm.s32 $0x40;
	s28 =	simm.s32 $0x10;
	v4 =	vld [tilespmem:s9+$0x10200];
	v8 =	vmul.f32 $6.400000000e+01, v6  }
0xa4: {  	s3 =	simm.s32 $0x20;
	s4 =	sand.u32 $0x70, s28;
	s2 =	sand.u32 $0x3E00, s30;
	v7 =	vmul.f32 $6.400000000e+01, v7;
	v6 =	vld [tilespmem:s9+$0x10280]  }
.LBB2_5:
0xa5: {  	p0 =	sne.s32 s3, $0xFF0;
	v9 =	vld [tilespmem:s9+$0x10300];
	v5 =	vadd.f32 v5, v8;
	s28 =	smov.u32 s9;
	s9 =	sor.u32 s4, s2  }
0xa6: {  	v8 =	vld [tilespmem:s9+$0x4380];
	v10 =	vmul.f32 $6.400000000e+01, v3  }
0xa7: {  	v11 =	vld [tilespmem:s9+$0x4200];
	v12 =	vmul.f32 $6.400000000e+01, v2;
	[tilespmem:s28+$0xC380] =	vst v5  }
.Ltmp1:
0xa8: {  	v5 =	vld [tilespmem:s9+$0x10380];
	v4 =	vadd.f32 v4, v7;
	(pc) =	sbr.rel @p0 .LBB2_5-.Ltmp1, $4  }
0xa9: {  	v3 =	vld [tilespmem:s9+$0x4280];
	v6 =	vadd.f32 v6, v10  }
0xaa: {  	v2 =	vld [tilespmem:s9+$0x4300];
	[tilespmem:s28+$0xC200] =	vst v4;
	v9 =	vadd.f32 v9, v12  }
0xab: {  	s30 =	sadd.s32 $0x40, s30;
	v4 =	vld [tilespmem:s9+$0x10200];
	v8 =	vmul.f32 $6.400000000e+01, v8;
	[tilespmem:s28+$0xC280] =	vst v6  }
0xac: {  	s4 =	sand.u32 $0x70, s3;
	s3 =	sadd.s32 $0x10, s3;
	s2 =	sand.u32 $0x3E00, s30;
	v7 =	vmul.f32 $6.400000000e+01, v11;
	v6 =	vld [tilespmem:s9+$0x10280];
	[tilespmem:s28+$0xC300] =	vst v9  }
0xad: {  	s2 =	sor.u32 s4, s2;
	v9 =	vld [tilespmem:s9+$0x10300];
	v5 =	vadd.f32 v5, v8  }
0xae: {  	v8 =	vld [tilespmem:s2+$0x4380]  }
0xaf: {  	v10 =	vld [tilespmem:s2+$0x4200];
	v3 =	vmul.f32 $6.400000000e+01, v3;
	[tilespmem:s9+$0xC380] =	vst v5  }
0xb0: {  	v2 =	vmul.f32 $6.400000000e+01, v2;
	v5 =	vld [tilespmem:s2+$0x10380];
	v4 =	vadd.f32 v4, v7  }
0xb1: {  	v7 =	vld [tilespmem:s2+$0x4280];
	v3 =	vadd.f32 v6, v3  }
0xb2: {  	v11 =	vld [tilespmem:s2+$0x4300];
	[tilespmem:s9+$0xC200] =	vst v4;
	v2 =	vadd.f32 v9, v2  }
0xb3: {  	v4 =	vld [tilespmem:s2+$0x10200];
	[tilespmem:s9+$0xC280] =	vst v3  }
0xb4: {  	v3 =	vld [tilespmem:s2+$0x10280];
	[tilespmem:s9+$0xC300] =	vst v2  }
0xb5: {  	v2 =	vmul.f32 $6.400000000e+01, v8;
	v6 =	vld [tilespmem:s2+$0x10300]  }
0xb6: {  	v8 =	vmul.f32 $6.400000000e+01, v10  }
0xb7: {  	v2 =	vadd.f32 v5, v2;
	v5 =	vmul.f32 $6.400000000e+01, v7  }
0xb8: {  	v7 =	vmul.f32 $6.400000000e+01, v11;
	v4 =	vadd.f32 v4, v8  }
0xb9: {  	[tilespmem:s2+$0xC380] =	vst v2;
	v2 =	vadd.f32 v3, v5  }
0xba: {  	[tilespmem:s2+$0xC200] =	vst v4;
	v3 =	vadd.f32 v6, v7  }
0xbb: {  	s8 =	rddreg [dreg:$0xc];
	[tilespmem:s2+$0xC280] =	vst v2  }
0xbc: {  	[tilespmem:s2+$0xC300] =	vst v3;
	s2 =	sadd.s32 s25, s8  }
0xbd: {  	[hbm4b:s2+s31] =	stream.strided.scatter [tilespmem:s26], [sflag:$0x4], $0x4000, s0, s31, $0x38;
	[tilespmem:$0x18200] =	vst v63  }
0xbe: {  	v2 =	vld.msk [tilespmem:s7+$0x180], $0xf;
	_ =	sdelay $0x4  }
0xbf: {  	v3 =	vshll.u32 v2, $0x5  }
0xc0: {  	v2 =	vand.u32 $0x7, v2;
	v3 =	vand.u32 $0xFFFFFF00, v3  }
0xc1: {  	v2 =	vor.u32 v2, v3  }
0xc2: {  	v2 =	vperm.xlane v2, v0;
	_ =	sdelay $0x1  }
0xc3: {  	v2 =	vadd.s32 v1, v2;
	_ =	sdelay $0x3  }
0xc4: {  	s3 =	simm.s32 $0x4200;
	s2 =	simm.s32 $0x0  }
0xc5: {  	[tilespmem:s3], [sflag:$0x2] =	stream.indirect_vreg.gather [hbm4b:s1+s2], $0x80, v2, vm0, $0xb8;
	[tilespmem:$0x18200] =	vst v63  }
0xc6: {  	s9 =	simm.s32 $0x4A00  }
0xc7: {  	[tilespmem:s9], [sflag:$0x2] =	stream.indirect_vreg.gather [hbm4b:s13+s2], $0x80, v2, vm0, $0xb8;
	[tilespmem:$0x18200] =	vst v63  }
0xc8: {  	s4 =	simm.s32 $0x5200  }
0xc9: {  	[tilespmem:s4], [sflag:$0x2] =	stream.indirect_vreg.gather [hbm4b:s14+s2], $0x80, v2, vm0, $0xb8;
	[tilespmem:$0x18200] =	vst v63  }
0xca: {  	s8 =	simm.s32 $0x5A00  }
0xcb: {  	[tilespmem:s8], [sflag:$0x2] =	stream.indirect_vreg.gather [hbm4b:s15+s2], $0x80, v2, vm0, $0xb8;
	[tilespmem:$0x18200] =	vst v63  }
0xcc: {  	_ = 	snop  }
0xcd: {  	[tilespmem:s20], [sflag:$0x2] =	stream.indirect_vreg.gather [hbm4b:s16+s2], $0x80, v2, vm0, $0xb8;
	[tilespmem:$0x18200] =	vst v63  }
0xce: {  	_ = 	snop  }
0xcf: {  	[tilespmem:s21], [sflag:$0x2] =	stream.indirect_vreg.gather [hbm4b:s17+s2], $0x80, v2, vm0, $0xb8;
	[tilespmem:$0x18200] =	vst v63  }
0xd0: {  	_ = 	snop  }
0xd1: {  	[tilespmem:s22], [sflag:$0x2] =	stream.indirect_vreg.gather [hbm4b:s18+s2], $0x80, v2, vm0, $0xb8;
	[tilespmem:$0x18200] =	vst v63  }
0xd2: {  	_ = 	snop  }
0xd3: {  	[tilespmem:s23], [sflag:$0x2] =	stream.indirect_vreg.gather [hbm4b:s19+s2], $0x80, v2, vm0, $0xb8;
	[tilespmem:$0x18200] =	vst v63  }
0xd4: {  	_ =	swait.ge [sflag:s24], $0x4000  }
0xd5: {  	[sflag:s24] =	ssyncset.done $0x0  }
0xd6: {  	[sflag:s24] =	ssyncadd.s32 $0xFFFFC000  }
0xd7: {  	_ =	swait.ge [sflag:s6], $0x4000  }
0xd8: {  	s9 =	sand.u32 $0x70, s2;
	s2 =	sand.u32 $0x3E00, s2;
	[sflag:s6] =	ssyncset.done $0x0  }
0xd9: {  	s30 =	sor.u32 s9, s2;
	[sflag:s6] =	ssyncadd.s32 $0xFFFFC000  }
0xda: {  	v6 =	vld [tilespmem:s30+$0x380]  }
0xdb: {  	v7 =	vld [tilespmem:s30+$0x200]  }
0xdc: {  	v5 =	vld [tilespmem:s30+$0x10380]  }
0xdd: {  	v3 =	vld [tilespmem:s30+$0x280]  }
0xde: {  	s3 =	simm.s32 $0x40;
	v2 =	vld [tilespmem:s30+$0x300]  }
0xdf: {  	s28 =	sand.u32 $0x3E00, s3;
	s8 =	simm.s32 $0x10;
	s4 =	rddreg [dreg:$0xd];
	v4 =	vld [tilespmem:s30+$0x10200];
	v8 =	vmul.f32 $6.400000000e+01, v6  }
0xe0: {  	s2 =	sand.u32 $0x70, s8;
	s9 =	sadd.s32 s25, s4;
	s4 =	simm.s32 $0x20;
	v7 =	vmul.f32 $6.400000000e+01, v7;
	v6 =	vld [tilespmem:s30+$0x10280]  }
.LBB2_7:
0xe1: {  	p0 =	sne.s32 s4, $0xFF0;
	v9 =	vld [tilespmem:s30+$0x10300];
	v5 =	vadd.f32 v5, v8;
	s8 =	smov.u32 s30;
	s30 =	sor.u32 s2, s28  }
0xe2: {  	v8 =	vld [tilespmem:s30+$0x380];
	v10 =	vmul.f32 $6.400000000e+01, v3  }
0xe3: {  	v11 =	vld [tilespmem:s30+$0x200];
	v12 =	vmul.f32 $6.400000000e+01, v2;
	[tilespmem:s8+$0x8380] =	vst v5  }
.Ltmp2:
0xe4: {  	v5 =	vld [tilespmem:s30+$0x10380];
	v4 =	vadd.f32 v4, v7;
	(pc) =	sbr.rel @p0 .LBB2_7-.Ltmp2, $4  }
0xe5: {  	v3 =	vld [tilespmem:s30+$0x280];
	v6 =	vadd.f32 v6, v10  }
0xe6: {  	v2 =	vld [tilespmem:s30+$0x300];
	[tilespmem:s8+$0x8200] =	vst v4;
	v9 =	vadd.f32 v9, v12  }
0xe7: {  	s3 =	sadd.s32 $0x40, s3;
	v4 =	vld [tilespmem:s30+$0x10200];
	v8 =	vmul.f32 $6.400000000e+01, v8;
	[tilespmem:s8+$0x8280] =	vst v6  }
0xe8: {  	s2 =	sand.u32 $0x70, s4;
	s4 =	sadd.s32 $0x10, s4;
	s28 =	sand.u32 $0x3E00, s3;
	v7 =	vmul.f32 $6.400000000e+01, v11;
	v6 =	vld [tilespmem:s30+$0x10280];
	[tilespmem:s8+$0x8300] =	vst v9  }
0xe9: {  	s2 =	sor.u32 s2, s28;
	v9 =	vld [tilespmem:s30+$0x10300];
	v5 =	vadd.f32 v5, v8  }
0xea: {  	v8 =	vld [tilespmem:s2+$0x380]  }
0xeb: {  	v10 =	vld [tilespmem:s2+$0x200];
	v3 =	vmul.f32 $6.400000000e+01, v3;
	[tilespmem:s30+$0x8380] =	vst v5  }
0xec: {  	v2 =	vmul.f32 $6.400000000e+01, v2;
	v5 =	vld [tilespmem:s2+$0x10380];
	v4 =	vadd.f32 v4, v7  }
0xed: {  	v7 =	vld [tilespmem:s2+$0x280];
	v3 =	vadd.f32 v6, v3  }
0xee: {  	v11 =	vld [tilespmem:s2+$0x300];
	[tilespmem:s30+$0x8200] =	vst v4;
	v2 =	vadd.f32 v9, v2  }
0xef: {  	v4 =	vld [tilespmem:s2+$0x10200];
	[tilespmem:s30+$0x8280] =	vst v3  }
0xf0: {  	v3 =	vld [tilespmem:s2+$0x10280];
	[tilespmem:s30+$0x8300] =	vst v2  }
0xf1: {  	v2 =	vmul.f32 $6.400000000e+01, v8;
	v6 =	vld [tilespmem:s2+$0x10300]  }
0xf2: {  	v8 =	vmul.f32 $6.400000000e+01, v10  }
0xf3: {  	v2 =	vadd.f32 v5, v2;
	v5 =	vmul.f32 $6.400000000e+01, v7  }
0xf4: {  	v7 =	vmul.f32 $6.400000000e+01, v11;
	v4 =	vadd.f32 v4, v8  }
0xf5: {  	[tilespmem:s2+$0x8380] =	vst v2;
	v2 =	vadd.f32 v3, v5  }
0xf6: {  	[tilespmem:s2+$0x8200] =	vst v4;
	v3 =	vadd.f32 v6, v7  }
0xf7: {  	[tilespmem:s2+$0x8280] =	vst v2  }
0xf8: {  	s8 =	simm.s32 $0x8200;
	s7 =	sor.u32 $0x4, s7;
	[tilespmem:s2+$0x8300] =	vst v3  }
0xf9: {  	[hbm4b:s9+s31] =	stream.strided.scatter [tilespmem:s8], [sflag:$0x3], $0x4000, s0, s31, $0x38;
	[tilespmem:$0x18200] =	vst v63  }
0xfa: {  	v2 =	vld.msk [tilespmem:s7+$0x0], $0xf;
	_ =	sdelay $0x4  }
0xfb: {  	v3 =	vshll.u32 v2, $0x5  }
0xfc: {  	v2 =	vand.u32 $0x7, v2;
	v3 =	vand.u32 $0xFFFFFF00, v3  }
0xfd: {  	v2 =	vor.u32 v2, v3  }
0xfe: {  	v2 =	vperm.xlane v2, v0;
	_ =	sdelay $0x1  }
0xff: {  	v2 =	vadd.s32 v1, v2;
	_ =	sdelay $0x3  }
0x100: {  	s2 =	simm.s32 $0x0  }
0x101: {  	[tilespmem:s31], [sflag:$0x1] =	stream.indirect_vreg.gather [hbm4b:s1+s2], $0x80, v2, vm0, $0xb8;
	[tilespmem:$0x18200] =	vst v63  }
0x102: {  	s3 =	simm.s32 $0xA00  }
0x103: {  	[tilespmem:s3], [sflag:$0x1] =	stream.indirect_vreg.gather [hbm4b:s13+s2], $0x80, v2, vm0, $0xb8;
	[tilespmem:$0x18200] =	vst v63  }
0x104: {  	s9 =	simm.s32 $0x1200  }
0x105: {  	[tilespmem:s9], [sflag:$0x1] =	stream.indirect_vreg.gather [hbm4b:s14+s2], $0x80, v2, vm0, $0xb8;
	[tilespmem:$0x18200] =	vst v63  }
0x106: {  	s4 =	simm.s32 $0x1A00  }
0x107: {  	[tilespmem:s4], [sflag:$0x1] =	stream.indirect_vreg.gather [hbm4b:s15+s2], $0x80, v2, vm0, $0xb8;
	[tilespmem:$0x18200] =	vst v63  }
0x108: {  	s8 =	simm.s32 $0x2200  }
0x109: {  	[tilespmem:s8], [sflag:$0x1] =	stream.indirect_vreg.gather [hbm4b:s16+s2], $0x80, v2, vm0, $0xb8;
	[tilespmem:$0x18200] =	vst v63  }
0x10a: {  	s9 =	simm.s32 $0x2A00  }
0x10b: {  	[tilespmem:s9], [sflag:$0x1] =	stream.indirect_vreg.gather [hbm4b:s17+s2], $0x80, v2, vm0, $0xb8;
	[tilespmem:$0x18200] =	vst v63  }
0x10c: {  	s4 =	simm.s32 $0x3200  }
0x10d: {  	[tilespmem:s4], [sflag:$0x1] =	stream.indirect_vreg.gather [hbm4b:s18+s2], $0x80, v2, vm0, $0xb8;
	[tilespmem:$0x18200] =	vst v63  }
0x10e: {  	s8 =	simm.s32 $0x3A00  }
0x10f: {  	[tilespmem:s8], [sflag:$0x1] =	stream.indirect_vreg.gather [hbm4b:s19+s2], $0x80, v2, vm0, $0xb8;
	[tilespmem:$0x18200] =	vst v63  }
0x110: {  	_ =	swait.ge [sflag:s29], $0x4000  }
0x111: {  	[sflag:s29] =	ssyncset.done $0x0  }
0x112: {  	[sflag:s29] =	ssyncadd.s32 $0xFFFFC000  }
0x113: {  	_ =	swait.ge [sflag:s10], $0x4000  }
0x114: {  	s9 =	sand.u32 $0x70, s2;
	s2 =	sand.u32 $0x3E00, s2;
	[sflag:s10] =	ssyncset.done $0x0  }
0x115: {  	s30 =	sor.u32 s9, s2;
	[sflag:s10] =	ssyncadd.s32 $0xFFFFC000  }
0x116: {  	v6 =	vld [tilespmem:s30+$0x4380]  }
0x117: {  	v7 =	vld [tilespmem:s30+$0x4200]  }
0x118: {  	v5 =	vld [tilespmem:s30+$0x10380]  }
0x119: {  	v3 =	vld [tilespmem:s30+$0x4280]  }
0x11a: {  	s3 =	simm.s32 $0x40;
	v2 =	vld [tilespmem:s30+$0x4300]  }
0x11b: {  	s28 =	sand.u32 $0x3E00, s3;
	s8 =	simm.s32 $0x10;
	s4 =	rddreg [dreg:$0xe];
	v4 =	vld [tilespmem:s30+$0x10200];
	v8 =	vmul.f32 $6.400000000e+01, v6  }
0x11c: {  	s2 =	sand.u32 $0x70, s8;
	s9 =	sadd.s32 s25, s4;
	s4 =	simm.s32 $0x20;
	v7 =	vmul.f32 $6.400000000e+01, v7;
	v6 =	vld [tilespmem:s30+$0x10280]  }
.LBB2_9:
0x11d: {  	p0 =	sne.s32 s4, $0xFF0;
	v9 =	vld [tilespmem:s30+$0x10300];
	v5 =	vadd.f32 v5, v8;
	s8 =	smov.u32 s30;
	s30 =	sor.u32 s2, s28  }
0x11e: {  	v8 =	vld [tilespmem:s30+$0x4380];
	v10 =	vmul.f32 $6.400000000e+01, v3  }
0x11f: {  	v11 =	vld [tilespmem:s30+$0x4200];
	v12 =	vmul.f32 $6.400000000e+01, v2;
	[tilespmem:s8+$0xC380] =	vst v5  }
.Ltmp3:
0x120: {  	v5 =	vld [tilespmem:s30+$0x10380];
	v4 =	vadd.f32 v4, v7;
	(pc) =	sbr.rel @p0 .LBB2_9-.Ltmp3, $4  }
0x121: {  	v3 =	vld [tilespmem:s30+$0x4280];
	v6 =	vadd.f32 v6, v10  }
0x122: {  	v2 =	vld [tilespmem:s30+$0x4300];
	[tilespmem:s8+$0xC200] =	vst v4;
	v9 =	vadd.f32 v9, v12  }
0x123: {  	s3 =	sadd.s32 $0x40, s3;
	v4 =	vld [tilespmem:s30+$0x10200];
	v8 =	vmul.f32 $6.400000000e+01, v8;
	[tilespmem:s8+$0xC280] =	vst v6  }
0x124: {  	s2 =	sand.u32 $0x70, s4;
	s4 =	sadd.s32 $0x10, s4;
	s28 =	sand.u32 $0x3E00, s3;
	v7 =	vmul.f32 $6.400000000e+01, v11;
	v6 =	vld [tilespmem:s30+$0x10280];
	[tilespmem:s8+$0xC300] =	vst v9  }
0x125: {  	s2 =	sor.u32 s2, s28;
	v9 =	vld [tilespmem:s30+$0x10300];
	v5 =	vadd.f32 v5, v8  }
0x126: {  	v8 =	vld [tilespmem:s2+$0x4380]  }
0x127: {  	v10 =	vld [tilespmem:s2+$0x4200];
	v3 =	vmul.f32 $6.400000000e+01, v3;
	[tilespmem:s30+$0xC380] =	vst v5  }
0x128: {  	v2 =	vmul.f32 $6.400000000e+01, v2;
	v5 =	vld [tilespmem:s2+$0x10380];
	v4 =	vadd.f32 v4, v7  }
0x129: {  	v7 =	vld [tilespmem:s2+$0x4280];
	v3 =	vadd.f32 v6, v3  }
0x12a: {  	v11 =	vld [tilespmem:s2+$0x4300];
	[tilespmem:s30+$0xC200] =	vst v4;
	v2 =	vadd.f32 v9, v2  }
0x12b: {  	v4 =	vld [tilespmem:s2+$0x10200];
	[tilespmem:s30+$0xC280] =	vst v3  }
0x12c: {  	v3 =	vld [tilespmem:s2+$0x10280];
	[tilespmem:s30+$0xC300] =	vst v2  }
0x12d: {  	v2 =	vmul.f32 $6.400000000e+01, v8;
	v6 =	vld [tilespmem:s2+$0x10300]  }
0x12e: {  	v8 =	vmul.f32 $6.400000000e+01, v10  }
0x12f: {  	v2 =	vadd.f32 v5, v2;
	v5 =	vmul.f32 $6.400000000e+01, v7  }
0x130: {  	v7 =	vmul.f32 $6.400000000e+01, v11;
	v4 =	vadd.f32 v4, v8  }
0x131: {  	[tilespmem:s2+$0xC380] =	vst v2;
	v2 =	vadd.f32 v3, v5  }
0x132: {  	[tilespmem:s2+$0xC200] =	vst v4;
	v3 =	vadd.f32 v6, v7  }
0x133: {  	[tilespmem:s2+$0xC280] =	vst v2  }
0x134: {  	[tilespmem:s2+$0xC300] =	vst v3  }
0x135: {  	[hbm4b:s9+s31] =	stream.strided.scatter [tilespmem:s26], [sflag:$0x4], $0x4000, s0, s31, $0x38;
	[tilespmem:$0x18200] =	vst v63  }
0x136: {  	v2 =	vld.msk [tilespmem:s7+$0x80], $0xf;
	_ =	sdelay $0x4  }
0x137: {  	v3 =	vshll.u32 v2, $0x5  }
0x138: {  	v2 =	vand.u32 $0x7, v2;
	v3 =	vand.u32 $0xFFFFFF00, v3  }
0x139: {  	v2 =	vor.u32 v2, v3  }
0x13a: {  	v2 =	vperm.xlane v2, v0;
	_ =	sdelay $0x1  }
0x13b: {  	v2 =	vadd.s32 v1, v2;
	_ =	sdelay $0x3  }
0x13c: {  	s3 =	simm.s32 $0x4200;
	s2 =	simm.s32 $0x0  }
0x13d: {  	[tilespmem:s3], [sflag:$0x2] =	stream.indirect_vreg.gather [hbm4b:s1+s2], $0x80, v2, vm0, $0xb8;
	[tilespmem:$0x18200] =	vst v63  }
0x13e: {  	s4 =	simm.s32 $0x4A00  }
0x13f: {  	[tilespmem:s4], [sflag:$0x2] =	stream.indirect_vreg.gather [hbm4b:s13+s2], $0x80, v2, vm0, $0xb8;
	[tilespmem:$0x18200] =	vst v63  }
0x140: {  	s8 =	simm.s32 $0x5200;
	s4 =	smin.u32 s12, $0x1D  }
0x141: {  	[tilespmem:s8], [sflag:$0x2] =	stream.indirect_vreg.gather [hbm4b:s14+s2], $0x80, v2, vm0, $0xb8;
	[tilespmem:$0x18200] =	vst v63  }
0x142: {  	s9 =	simm.s32 $0x5A00;
	s3 =	sadd.s32 $0x2, s4  }
0x143: {  	[tilespmem:s9], [sflag:$0x2] =	stream.indirect_vreg.gather [hbm4b:s15+s2], $0x80, v2, vm0, $0xb8;
	[tilespmem:$0x18200] =	vst v63  }
0x144: {  	s4 =	rddreg [dreg:$0x5];
	s9 =	sshll.u32 s3, $0x2  }
0x145: {  	[tilespmem:s20], [sflag:$0x2] =	stream.indirect_vreg.gather [hbm4b:s16+s2], $0x80, v2, vm0, $0xb8;
	[tilespmem:$0x18200] =	vst v63  }
0x146: {  	s3 =	sshll.u32 s3, $0x6;
	s4 =	sadd.s32 s4, s9  }
0x147: {  	[tilespmem:s21], [sflag:$0x2] =	stream.indirect_vreg.gather [hbm4b:s17+s2], $0x80, v2, vm0, $0xb8;
	[tilespmem:$0x18200] =	vst v63  }
0x148: {  	s8 =	rddreg [dreg:$0x2];
	s3 =	sand.u32 $0x40, s3;
	s4 =	sshll.u32 s4, $0x9  }
0x149: {  	[tilespmem:s22], [sflag:$0x2] =	stream.indirect_vreg.gather [hbm4b:s18+s2], $0x80, v2, vm0, $0xb8;
	[tilespmem:$0x18200] =	vst v63  }
0x14a: {  	s3 =	sadd.s32 s8, s3;
	s4 =	sand.u32 $0x3FF000, s4  }
0x14b: {  	[tilespmem:s23], [sflag:$0x2] =	stream.indirect_vreg.gather [hbm4b:s19+s2], $0x80, v2, vm0, $0xb8;
	[tilespmem:$0x18200] =	vst v63  }
0x14c: {  	s8 =	simm.s32 $0x10200;
	s3 =	sadd.s32 s4, s3  }
0x14d: {  	[tilespmem:s8], [sflag:$0x5] =	stream.strided.gather [hbm4b:s3+s31], $0x4000, s0, s31, $0x38;
	[tilespmem:$0x18200] =	vst v63  }
0x14e: {  	_ =	swait.ge [sflag:s24], $0x4000  }
0x14f: {  	[sflag:s24] =	ssyncset.done $0x0  }
0x150: {  	s8 =	simm.s32 $0x6;
	[sflag:s24] =	ssyncadd.s32 $0xFFFFC000  }
0x151: {  	_ =	swait.ge [sflag:s8], $0x4000  }
0x152: {  	[sflag:s8] =	ssyncset.done $0x0  }
0x153: {  	[sflag:s8] =	ssyncadd.s32 $0xFFFFC000  }
0x154: {  	_ =	swait.ge [sflag:s6], $0x4000  }
0x155: {  	s4 =	sand.u32 $0x70, s2;
	s2 =	sand.u32 $0x3E00, s2;
	[sflag:s6] =	ssyncset.done $0x0  }
0x156: {  	s30 =	sor.u32 s4, s2;
	[sflag:s6] =	ssyncadd.s32 $0xFFFFC000  }
0x157: {  	v6 =	vld [tilespmem:s30+$0x380]  }
0x158: {  	v7 =	vld [tilespmem:s30+$0x200]  }
0x159: {  	v5 =	vld [tilespmem:s30+$0x14380]  }
0x15a: {  	v3 =	vld [tilespmem:s30+$0x280]  }
0x15b: {  	v2 =	vld [tilespmem:s30+$0x300]  }
0x15c: {  	s3 =	simm.s32 $0x40;
	s8 =	simm.s32 $0x10;
	v4 =	vld [tilespmem:s30+$0x14200];
	v8 =	vmul.f32 $6.400000000e+01, v6  }
0x15d: {  	s4 =	simm.s32 $0x20;
	s28 =	sand.u32 $0x3E00, s3;
	s2 =	sand.u32 $0x70, s8;
	v7 =	vmul.f32 $6.400000000e+01, v7;
	v6 =	vld [tilespmem:s30+$0x14280]  }
.LBB2_11:
0x15e: {  	p0 =	sne.s32 s4, $0xFF0;
	v9 =	vld [tilespmem:s30+$0x14300];
	v5 =	vadd.f32 v5, v8;
	s8 =	smov.u32 s30;
	s30 =	sor.u32 s2, s28  }
0x15f: {  	v8 =	vld [tilespmem:s30+$0x380];
	v10 =	vmul.f32 $6.400000000e+01, v3  }
0x160: {  	v11 =	vld [tilespmem:s30+$0x200];
	v12 =	vmul.f32 $6.400000000e+01, v2;
	[tilespmem:s8+$0x8380] =	vst v5  }
.Ltmp4:
0x161: {  	v5 =	vld [tilespmem:s30+$0x14380];
	v4 =	vadd.f32 v4, v7;
	(pc) =	sbr.rel @p0 .LBB2_11-.Ltmp4, $4  }
0x162: {  	v3 =	vld [tilespmem:s30+$0x280];
	v6 =	vadd.f32 v6, v10  }
0x163: {  	v2 =	vld [tilespmem:s30+$0x300];
	[tilespmem:s8+$0x8200] =	vst v4;
	v9 =	vadd.f32 v9, v12  }
0x164: {  	s3 =	sadd.s32 $0x40, s3;
	v4 =	vld [tilespmem:s30+$0x14200];
	v8 =	vmul.f32 $6.400000000e+01, v8;
	[tilespmem:s8+$0x8280] =	vst v6  }
0x165: {  	s2 =	sand.u32 $0x70, s4;
	s4 =	sadd.s32 $0x10, s4;
	s28 =	sand.u32 $0x3E00, s3;
	v7 =	vmul.f32 $6.400000000e+01, v11;
	v6 =	vld [tilespmem:s30+$0x14280];
	[tilespmem:s8+$0x8300] =	vst v9  }
0x166: {  	s2 =	sor.u32 s2, s28;
	v9 =	vld [tilespmem:s30+$0x14300];
	v5 =	vadd.f32 v5, v8  }
0x167: {  	v8 =	vld [tilespmem:s2+$0x380]  }
0x168: {  	v10 =	vld [tilespmem:s2+$0x200];
	v3 =	vmul.f32 $6.400000000e+01, v3;
	[tilespmem:s30+$0x8380] =	vst v5  }
0x169: {  	v2 =	vmul.f32 $6.400000000e+01, v2;
	v5 =	vld [tilespmem:s2+$0x14380];
	v4 =	vadd.f32 v4, v7  }
0x16a: {  	v7 =	vld [tilespmem:s2+$0x280];
	v3 =	vadd.f32 v6, v3  }
0x16b: {  	v11 =	vld [tilespmem:s2+$0x300];
	[tilespmem:s30+$0x8200] =	vst v4;
	v2 =	vadd.f32 v9, v2  }
0x16c: {  	v4 =	vld [tilespmem:s2+$0x14200];
	[tilespmem:s30+$0x8280] =	vst v3  }
0x16d: {  	v3 =	vld [tilespmem:s2+$0x14280];
	[tilespmem:s30+$0x8300] =	vst v2  }
0x16e: {  	v2 =	vmul.f32 $6.400000000e+01, v8;
	v6 =	vld [tilespmem:s2+$0x14300]  }
0x16f: {  	v8 =	vmul.f32 $6.400000000e+01, v10  }
0x170: {  	v2 =	vadd.f32 v5, v2;
	v5 =	vmul.f32 $6.400000000e+01, v7  }
0x171: {  	v7 =	vmul.f32 $6.400000000e+01, v11;
	v4 =	vadd.f32 v4, v8  }
0x172: {  	[tilespmem:s2+$0x8380] =	vst v2;
	v2 =	vadd.f32 v3, v5  }
0x173: {  	[tilespmem:s2+$0x8200] =	vst v4;
	v3 =	vadd.f32 v6, v7  }
0x174: {  	s4 =	rddreg [dreg:$0xf];
	[tilespmem:s2+$0x8280] =	vst v2  }
0x175: {  	s3 =	simm.s32 $0x8200;
	[tilespmem:s2+$0x8300] =	vst v3;
	s2 =	sadd.s32 s25, s4  }
0x176: {  	[hbm4b:s2+s31] =	stream.strided.scatter [tilespmem:s3], [sflag:$0x3], $0x4000, s0, s31, $0x38;
	[tilespmem:$0x18200] =	vst v63  }
0x177: {  	v2 =	vld.msk [tilespmem:s7+$0x100], $0xf;
	_ =	sdelay $0x4  }
0x178: {  	v3 =	vshll.u32 v2, $0x5  }
0x179: {  	v2 =	vand.u32 $0x7, v2;
	v3 =	vand.u32 $0xFFFFFF00, v3  }
0x17a: {  	v2 =	vor.u32 v2, v3  }
0x17b: {  	v2 =	vperm.xlane v2, v0;
	_ =	sdelay $0x1  }
0x17c: {  	v2 =	vadd.s32 v1, v2;
	_ =	sdelay $0x3  }
0x17d: {  	s2 =	simm.s32 $0x0  }
0x17e: {  	[tilespmem:s31], [sflag:$0x1] =	stream.indirect_vreg.gather [hbm4b:s1+s2], $0x80, v2, vm0, $0xb8;
	[tilespmem:$0x18200] =	vst v63  }
0x17f: {  	s8 =	simm.s32 $0xA00  }
0x180: {  	[tilespmem:s8], [sflag:$0x1] =	stream.indirect_vreg.gather [hbm4b:s13+s2], $0x80, v2, vm0, $0xb8;
	[tilespmem:$0x18200] =	vst v63  }
0x181: {  	s4 =	simm.s32 $0x1200  }
0x182: {  	[tilespmem:s4], [sflag:$0x1] =	stream.indirect_vreg.gather [hbm4b:s14+s2], $0x80, v2, vm0, $0xb8;
	[tilespmem:$0x18200] =	vst v63  }
0x183: {  	s8 =	simm.s32 $0x1A00  }
0x184: {  	[tilespmem:s8], [sflag:$0x1] =	stream.indirect_vreg.gather [hbm4b:s15+s2], $0x80, v2, vm0, $0xb8;
	[tilespmem:$0x18200] =	vst v63  }
0x185: {  	s4 =	simm.s32 $0x2200  }
0x186: {  	[tilespmem:s4], [sflag:$0x1] =	stream.indirect_vreg.gather [hbm4b:s16+s2], $0x80, v2, vm0, $0xb8;
	[tilespmem:$0x18200] =	vst v63  }
0x187: {  	s8 =	simm.s32 $0x2A00  }
0x188: {  	[tilespmem:s8], [sflag:$0x1] =	stream.indirect_vreg.gather [hbm4b:s17+s2], $0x80, v2, vm0, $0xb8;
	[tilespmem:$0x18200] =	vst v63  }
0x189: {  	s4 =	simm.s32 $0x3200  }
0x18a: {  	[tilespmem:s4], [sflag:$0x1] =	stream.indirect_vreg.gather [hbm4b:s18+s2], $0x80, v2, vm0, $0xb8;
	[tilespmem:$0x18200] =	vst v63  }
0x18b: {  	s8 =	simm.s32 $0x3A00  }
0x18c: {  	[tilespmem:s8], [sflag:$0x1] =	stream.indirect_vreg.gather [hbm4b:s19+s2], $0x80, v2, vm0, $0xb8;
	[tilespmem:$0x18200] =	vst v63  }
0x18d: {  	_ =	swait.ge [sflag:s29], $0x4000  }
0x18e: {  	[sflag:s29] =	ssyncset.done $0x0  }
0x18f: {  	[sflag:s29] =	ssyncadd.s32 $0xFFFFC000  }
0x190: {  	_ =	swait.ge [sflag:s10], $0x4000  }
0x191: {  	s4 =	sand.u32 $0x70, s2;
	s2 =	sand.u32 $0x3E00, s2;
	[sflag:s10] =	ssyncset.done $0x0  }
0x192: {  	s30 =	sor.u32 s4, s2;
	[sflag:s10] =	ssyncadd.s32 $0xFFFFC000  }
0x193: {  	v6 =	vld [tilespmem:s30+$0x4380]  }
0x194: {  	v7 =	vld [tilespmem:s30+$0x4200]  }
0x195: {  	v5 =	vld [tilespmem:s30+$0x14380]  }
0x196: {  	v3 =	vld [tilespmem:s30+$0x4280]  }
0x197: {  	v2 =	vld [tilespmem:s30+$0x4300]  }
0x198: {  	s3 =	simm.s32 $0x40;
	s8 =	simm.s32 $0x10;
	v4 =	vld [tilespmem:s30+$0x14200];
	v8 =	vmul.f32 $6.400000000e+01, v6  }
0x199: {  	s28 =	sand.u32 $0x3E00, s3;
	s2 =	sand.u32 $0x70, s8;
	s4 =	simm.s32 $0x20;
	v7 =	vmul.f32 $6.400000000e+01, v7;
	v6 =	vld [tilespmem:s30+$0x14280]  }
.LBB2_13:
0x19a: {  	p0 =	sne.s32 s4, $0xFF0;
	v9 =	vld [tilespmem:s30+$0x14300];
	v5 =	vadd.f32 v5, v8;
	s8 =	smov.u32 s30;
	s30 =	sor.u32 s2, s28  }
0x19b: {  	v8 =	vld [tilespmem:s30+$0x4380];
	v10 =	vmul.f32 $6.400000000e+01, v3  }
0x19c: {  	v11 =	vld [tilespmem:s30+$0x4200];
	v12 =	vmul.f32 $6.400000000e+01, v2;
	[tilespmem:s8+$0xC380] =	vst v5  }
.Ltmp5:
0x19d: {  	v5 =	vld [tilespmem:s30+$0x14380];
	v4 =	vadd.f32 v4, v7;
	(pc) =	sbr.rel @p0 .LBB2_13-.Ltmp5, $4  }
0x19e: {  	v3 =	vld [tilespmem:s30+$0x4280];
	v6 =	vadd.f32 v6, v10  }
0x19f: {  	v2 =	vld [tilespmem:s30+$0x4300];
	[tilespmem:s8+$0xC200] =	vst v4;
	v9 =	vadd.f32 v9, v12  }
0x1a0: {  	s3 =	sadd.s32 $0x40, s3;
	v4 =	vld [tilespmem:s30+$0x14200];
	v8 =	vmul.f32 $6.400000000e+01, v8;
	[tilespmem:s8+$0xC280] =	vst v6  }
0x1a1: {  	s2 =	sand.u32 $0x70, s4;
	s4 =	sadd.s32 $0x10, s4;
	s28 =	sand.u32 $0x3E00, s3;
	v7 =	vmul.f32 $6.400000000e+01, v11;
	v6 =	vld [tilespmem:s30+$0x14280];
	[tilespmem:s8+$0xC300] =	vst v9  }
0x1a2: {  	s2 =	sor.u32 s2, s28;
	v9 =	vld [tilespmem:s30+$0x14300];
	v5 =	vadd.f32 v5, v8  }
0x1a3: {  	v8 =	vld [tilespmem:s2+$0x4380]  }
0x1a4: {  	v10 =	vld [tilespmem:s2+$0x4200];
	v3 =	vmul.f32 $6.400000000e+01, v3;
	[tilespmem:s30+$0xC380] =	vst v5  }
0x1a5: {  	v2 =	vmul.f32 $6.400000000e+01, v2;
	v5 =	vld [tilespmem:s2+$0x14380];
	v4 =	vadd.f32 v4, v7  }
0x1a6: {  	v7 =	vld [tilespmem:s2+$0x4280];
	v3 =	vadd.f32 v6, v3  }
0x1a7: {  	v11 =	vld [tilespmem:s2+$0x4300];
	[tilespmem:s30+$0xC200] =	vst v4;
	v2 =	vadd.f32 v9, v2  }
0x1a8: {  	v4 =	vld [tilespmem:s2+$0x14200];
	[tilespmem:s30+$0xC280] =	vst v3  }
0x1a9: {  	v3 =	vld [tilespmem:s2+$0x14280];
	[tilespmem:s30+$0xC300] =	vst v2  }
0x1aa: {  	v2 =	vmul.f32 $6.400000000e+01, v8;
	v6 =	vld [tilespmem:s2+$0x14300]  }
0x1ab: {  	v8 =	vmul.f32 $6.400000000e+01, v10  }
0x1ac: {  	v2 =	vadd.f32 v5, v2;
	v5 =	vmul.f32 $6.400000000e+01, v7  }
0x1ad: {  	v7 =	vmul.f32 $6.400000000e+01, v11;
	v4 =	vadd.f32 v4, v8  }
0x1ae: {  	[tilespmem:s2+$0xC380] =	vst v2;
	v2 =	vadd.f32 v3, v5  }
0x1af: {  	[tilespmem:s2+$0xC200] =	vst v4;
	v3 =	vadd.f32 v6, v7  }
0x1b0: {  	s3 =	rddreg [dreg:$0x10];
	[tilespmem:s2+$0xC280] =	vst v2  }
0x1b1: {  	[tilespmem:s2+$0xC300] =	vst v3;
	s2 =	sadd.s32 s25, s3  }
0x1b2: {  	[hbm4b:s2+s31] =	stream.strided.scatter [tilespmem:s26], [sflag:$0x4], $0x4000, s0, s31, $0x38;
	[tilespmem:$0x18200] =	vst v63  }
0x1b3: {  	v2 =	vld.msk [tilespmem:s7+$0x180], $0xf;
	_ =	sdelay $0x4  }
0x1b4: {  	v3 =	vshll.u32 v2, $0x5  }
0x1b5: {  	v2 =	vand.u32 $0x7, v2;
	v3 =	vand.u32 $0xFFFFFF00, v3  }
0x1b6: {  	v2 =	vor.u32 v2, v3  }
0x1b7: {  	v2 =	vperm.xlane v2, v0;
	_ =	sdelay $0x1  }
0x1b8: {  	v2 =	vadd.s32 v1, v2;
	_ =	sdelay $0x3  }
0x1b9: {  	s3 =	simm.s32 $0x4200;
	s2 =	simm.s32 $0x0  }
0x1ba: {  	[tilespmem:s3], [sflag:$0x2] =	stream.indirect_vreg.gather [hbm4b:s1+s2], $0x80, v2, vm0, $0xb8;
	[tilespmem:$0x18200] =	vst v63  }
0x1bb: {  	s4 =	simm.s32 $0x4A00  }
0x1bc: {  	[tilespmem:s4], [sflag:$0x2] =	stream.indirect_vreg.gather [hbm4b:s13+s2], $0x80, v2, vm0, $0xb8;
	[tilespmem:$0x18200] =	vst v63  }
0x1bd: {  	s7 =	simm.s32 $0x5200  }
0x1be: {  	[tilespmem:s7], [sflag:$0x2] =	stream.indirect_vreg.gather [hbm4b:s14+s2], $0x80, v2, vm0, $0xb8;
	[tilespmem:$0x18200] =	vst v63  }
0x1bf: {  	s8 =	simm.s32 $0x5A00  }
0x1c0: {  	[tilespmem:s8], [sflag:$0x2] =	stream.indirect_vreg.gather [hbm4b:s15+s2], $0x80, v2, vm0, $0xb8;
	[tilespmem:$0x18200] =	vst v63  }
0x1c1: {  	_ = 	snop  }
0x1c2: {  	[tilespmem:s20], [sflag:$0x2] =	stream.indirect_vreg.gather [hbm4b:s16+s2], $0x80, v2, vm0, $0xb8;
	[tilespmem:$0x18200] =	vst v63  }
0x1c3: {  	_ = 	snop  }
0x1c4: {  	[tilespmem:s21], [sflag:$0x2] =	stream.indirect_vreg.gather [hbm4b:s17+s2], $0x80, v2, vm0, $0xb8;
	[tilespmem:$0x18200] =	vst v63  }
0x1c5: {  	_ = 	snop  }
0x1c6: {  	[tilespmem:s22], [sflag:$0x2] =	stream.indirect_vreg.gather [hbm4b:s18+s2], $0x80, v2, vm0, $0xb8;
	[tilespmem:$0x18200] =	vst v63  }
0x1c7: {  	_ = 	snop  }
0x1c8: {  	[tilespmem:s23], [sflag:$0x2] =	stream.indirect_vreg.gather [hbm4b:s19+s2], $0x80, v2, vm0, $0xb8;
	[tilespmem:$0x18200] =	vst v63  }
0x1c9: {  	_ =	swait.ge [sflag:s24], $0x4000  }
0x1ca: {  	[sflag:s24] =	ssyncset.done $0x0  }
0x1cb: {  	[sflag:s24] =	ssyncadd.s32 $0xFFFFC000  }
0x1cc: {  	_ =	swait.ge [sflag:s6], $0x4000  }
0x1cd: {  	s4 =	sand.u32 $0x70, s2;
	s2 =	sand.u32 $0x3E00, s2;
	[sflag:s6] =	ssyncset.done $0x0  }
0x1ce: {  	s30 =	sor.u32 s4, s2;
	[sflag:s6] =	ssyncadd.s32 $0xFFFFC000  }
0x1cf: {  	v6 =	vld [tilespmem:s30+$0x380]  }
0x1d0: {  	v7 =	vld [tilespmem:s30+$0x200]  }
0x1d1: {  	v5 =	vld [tilespmem:s30+$0x14380]  }
0x1d2: {  	v3 =	vld [tilespmem:s30+$0x280]  }
0x1d3: {  	s3 =	simm.s32 $0x40;
	v2 =	vld [tilespmem:s30+$0x300]  }
0x1d4: {  	s28 =	sand.u32 $0x3E00, s3;
	s8 =	simm.s32 $0x10;
	s7 =	rddreg [dreg:$0x12];
	v4 =	vld [tilespmem:s30+$0x14200];
	v8 =	vmul.f32 $6.400000000e+01, v6  }
0x1d5: {  	s2 =	sand.u32 $0x70, s8;
	s4 =	simm.s32 $0x20;
	s7 =	sadd.s32 s25, s7;
	v7 =	vmul.f32 $6.400000000e+01, v7;
	v6 =	vld [tilespmem:s30+$0x14280]  }
.LBB2_15:
0x1d6: {  	p0 =	sne.s32 s4, $0xFF0;
	v9 =	vld [tilespmem:s30+$0x14300];
	v5 =	vadd.f32 v5, v8;
	s8 =	smov.u32 s30;
	s30 =	sor.u32 s2, s28  }
0x1d7: {  	v8 =	vld [tilespmem:s30+$0x380];
	v10 =	vmul.f32 $6.400000000e+01, v3  }
0x1d8: {  	v11 =	vld [tilespmem:s30+$0x200];
	v12 =	vmul.f32 $6.400000000e+01, v2;
	[tilespmem:s8+$0x8380] =	vst v5  }
.Ltmp6:
0x1d9: {  	v5 =	vld [tilespmem:s30+$0x14380];
	v4 =	vadd.f32 v4, v7;
	(pc) =	sbr.rel @p0 .LBB2_15-.Ltmp6, $4  }
0x1da: {  	v3 =	vld [tilespmem:s30+$0x280];
	v6 =	vadd.f32 v6, v10  }
0x1db: {  	v2 =	vld [tilespmem:s30+$0x300];
	[tilespmem:s8+$0x8200] =	vst v4;
	v9 =	vadd.f32 v9, v12  }
0x1dc: {  	s3 =	sadd.s32 $0x40, s3;
	v4 =	vld [tilespmem:s30+$0x14200];
	v8 =	vmul.f32 $6.400000000e+01, v8;
	[tilespmem:s8+$0x8280] =	vst v6  }
0x1dd: {  	s2 =	sand.u32 $0x70, s4;
	s4 =	sadd.s32 $0x10, s4;
	s28 =	sand.u32 $0x3E00, s3;
	v7 =	vmul.f32 $6.400000000e+01, v11;
	v6 =	vld [tilespmem:s30+$0x14280];
	[tilespmem:s8+$0x8300] =	vst v9  }
0x1de: {  	s2 =	sor.u32 s2, s28;
	v9 =	vld [tilespmem:s30+$0x14300];
	v5 =	vadd.f32 v5, v8  }
0x1df: {  	v8 =	vld [tilespmem:s2+$0x380]  }
0x1e0: {  	v10 =	vld [tilespmem:s2+$0x200];
	v3 =	vmul.f32 $6.400000000e+01, v3;
	[tilespmem:s30+$0x8380] =	vst v5  }
0x1e1: {  	v2 =	vmul.f32 $6.400000000e+01, v2;
	v5 =	vld [tilespmem:s2+$0x14380];
	v4 =	vadd.f32 v4, v7  }
0x1e2: {  	v7 =	vld [tilespmem:s2+$0x280];
	v3 =	vadd.f32 v6, v3  }
0x1e3: {  	v11 =	vld [tilespmem:s2+$0x300];
	[tilespmem:s30+$0x8200] =	vst v4;
	v2 =	vadd.f32 v9, v2  }
0x1e4: {  	v4 =	vld [tilespmem:s2+$0x14200];
	[tilespmem:s30+$0x8280] =	vst v3  }
0x1e5: {  	v3 =	vld [tilespmem:s2+$0x14280];
	[tilespmem:s30+$0x8300] =	vst v2  }
0x1e6: {  	v2 =	vmul.f32 $6.400000000e+01, v8;
	v6 =	vld [tilespmem:s2+$0x14300]  }
0x1e7: {  	v8 =	vmul.f32 $6.400000000e+01, v10  }
0x1e8: {  	v2 =	vadd.f32 v5, v2;
	v5 =	vmul.f32 $6.400000000e+01, v7  }
0x1e9: {  	v7 =	vmul.f32 $6.400000000e+01, v11;
	v4 =	vadd.f32 v4, v8  }
0x1ea: {  	[tilespmem:s2+$0x8380] =	vst v2;
	v2 =	vadd.f32 v3, v5  }
0x1eb: {  	[tilespmem:s2+$0x8200] =	vst v4;
	v3 =	vadd.f32 v6, v7  }
0x1ec: {  	[tilespmem:s2+$0x8280] =	vst v2  }
0x1ed: {  	s8 =	simm.s32 $0x8200;
	[tilespmem:s2+$0x8300] =	vst v3  }
0x1ee: {  	[hbm4b:s7+s31] =	stream.strided.scatter [tilespmem:s8], [sflag:$0x3], $0x4000, s0, s31, $0x38;
	[tilespmem:$0x18200] =	vst v63  }
0x1ef: {  	v2 =	vld.msk [tilespmem:s9+$0x0], $0xf;
	_ =	sdelay $0x4  }
0x1f0: {  	v3 =	vshll.u32 v2, $0x5  }
0x1f1: {  	v2 =	vand.u32 $0x7, v2;
	v3 =	vand.u32 $0xFFFFFF00, v3  }
0x1f2: {  	v2 =	vor.u32 v2, v3  }
0x1f3: {  	v2 =	vperm.xlane v2, v0;
	_ =	sdelay $0x1  }
0x1f4: {  	v2 =	vadd.s32 v1, v2;
	_ =	sdelay $0x3  }
0x1f5: {  	s2 =	simm.s32 $0x0  }
0x1f6: {  	[tilespmem:s31], [sflag:$0x1] =	stream.indirect_vreg.gather [hbm4b:s1+s2], $0x80, v2, vm0, $0xb8;
	[tilespmem:$0x18200] =	vst v63  }
0x1f7: {  	s3 =	simm.s32 $0xA00  }
0x1f8: {  	[tilespmem:s3], [sflag:$0x1] =	stream.indirect_vreg.gather [hbm4b:s13+s2], $0x80, v2, vm0, $0xb8;
	[tilespmem:$0x18200] =	vst v63  }
0x1f9: {  	s28 =	simm.s32 $0x1200  }
0x1fa: {  	[tilespmem:s28], [sflag:$0x1] =	stream.indirect_vreg.gather [hbm4b:s14+s2], $0x80, v2, vm0, $0xb8;
	[tilespmem:$0x18200] =	vst v63  }
0x1fb: {  	s4 =	simm.s32 $0x1A00  }
0x1fc: {  	[tilespmem:s4], [sflag:$0x1] =	stream.indirect_vreg.gather [hbm4b:s15+s2], $0x80, v2, vm0, $0xb8;
	[tilespmem:$0x18200] =	vst v63  }
0x1fd: {  	s7 =	simm.s32 $0x2200  }
0x1fe: {  	[tilespmem:s7], [sflag:$0x1] =	stream.indirect_vreg.gather [hbm4b:s16+s2], $0x80, v2, vm0, $0xb8;
	[tilespmem:$0x18200] =	vst v63  }
0x1ff: {  	s8 =	simm.s32 $0x2A00  }
0x200: {  	[tilespmem:s8], [sflag:$0x1] =	stream.indirect_vreg.gather [hbm4b:s17+s2], $0x80, v2, vm0, $0xb8;
	[tilespmem:$0x18200] =	vst v63  }
0x201: {  	s28 =	simm.s32 $0x3200  }
0x202: {  	[tilespmem:s28], [sflag:$0x1] =	stream.indirect_vreg.gather [hbm4b:s18+s2], $0x80, v2, vm0, $0xb8;
	[tilespmem:$0x18200] =	vst v63  }
0x203: {  	s4 =	simm.s32 $0x3A00  }
0x204: {  	[tilespmem:s4], [sflag:$0x1] =	stream.indirect_vreg.gather [hbm4b:s19+s2], $0x80, v2, vm0, $0xb8;
	[tilespmem:$0x18200] =	vst v63  }
0x205: {  	_ =	swait.ge [sflag:s29], $0x4000  }
0x206: {  	[sflag:s29] =	ssyncset.done $0x0  }
0x207: {  	[sflag:s29] =	ssyncadd.s32 $0xFFFFC000  }
0x208: {  	_ =	swait.ge [sflag:s10], $0x4000  }
0x209: {  	s7 =	sand.u32 $0x70, s2;
	s2 =	sand.u32 $0x3E00, s2;
	[sflag:s10] =	ssyncset.done $0x0  }
0x20a: {  	s30 =	sor.u32 s7, s2;
	[sflag:s10] =	ssyncadd.s32 $0xFFFFC000  }
0x20b: {  	v6 =	vld [tilespmem:s30+$0x4380]  }
0x20c: {  	v7 =	vld [tilespmem:s30+$0x4200]  }
0x20d: {  	v5 =	vld [tilespmem:s30+$0x14380]  }
0x20e: {  	v3 =	vld [tilespmem:s30+$0x4280]  }
0x20f: {  	s3 =	simm.s32 $0x40;
	v2 =	vld [tilespmem:s30+$0x4300]  }
0x210: {  	s28 =	simm.s32 $0x10;
	s4 =	simm.s32 $0x20;
	s8 =	rddreg [dreg:$0x13];
	v4 =	vld [tilespmem:s30+$0x14200];
	v8 =	vmul.f32 $6.400000000e+01, v6  }
0x211: {  	s2 =	sand.u32 $0x70, s28;
	s7 =	sadd.s32 s25, s8;
	s25 =	sand.u32 $0x3E00, s3;
	v7 =	vmul.f32 $6.400000000e+01, v7;
	v6 =	vld [tilespmem:s30+$0x14280]  }
.LBB2_17:
0x212: {  	p0 =	sne.s32 s4, $0xFF0;
	v9 =	vld [tilespmem:s30+$0x14300];
	v5 =	vadd.f32 v5, v8;
	s8 =	smov.u32 s30;
	s30 =	sor.u32 s2, s25  }
0x213: {  	v8 =	vld [tilespmem:s30+$0x4380];
	v10 =	vmul.f32 $6.400000000e+01, v3  }
0x214: {  	v11 =	vld [tilespmem:s30+$0x4200];
	v12 =	vmul.f32 $6.400000000e+01, v2;
	[tilespmem:s8+$0xC380] =	vst v5  }
.Ltmp7:
0x215: {  	v5 =	vld [tilespmem:s30+$0x14380];
	v4 =	vadd.f32 v4, v7;
	(pc) =	sbr.rel @p0 .LBB2_17-.Ltmp7, $4  }
0x216: {  	v3 =	vld [tilespmem:s30+$0x4280];
	v6 =	vadd.f32 v6, v10  }
0x217: {  	v2 =	vld [tilespmem:s30+$0x4300];
	[tilespmem:s8+$0xC200] =	vst v4;
	v9 =	vadd.f32 v9, v12  }
0x218: {  	s3 =	sadd.s32 $0x40, s3;
	v4 =	vld [tilespmem:s30+$0x14200];
	v8 =	vmul.f32 $6.400000000e+01, v8;
	[tilespmem:s8+$0xC280] =	vst v6  }
0x219: {  	s2 =	sand.u32 $0x70, s4;
	s4 =	sadd.s32 $0x10, s4;
	s25 =	sand.u32 $0x3E00, s3;
	v7 =	vmul.f32 $6.400000000e+01, v11;
	v6 =	vld [tilespmem:s30+$0x14280];
	[tilespmem:s8+$0xC300] =	vst v9  }
0x21a: {  	s2 =	sor.u32 s2, s25;
	v9 =	vld [tilespmem:s30+$0x14300];
	v5 =	vadd.f32 v5, v8  }
0x21b: {  	v58 =	vld [tilespmem:s2+$0x4380]  }
0x21c: {  	v10 =	vld [tilespmem:s2+$0x4200];
	v3 =	vmul.f32 $6.400000000e+01, v3;
	[tilespmem:s30+$0xC380] =	vst v5  }
0x21d: {  	v2 =	vmul.f32 $6.400000000e+01, v2;
	v5 =	vld [tilespmem:s2+$0x14380];
	v4 =	vadd.f32 v4, v7  }
0x21e: {  	v59 =	vld [tilespmem:s2+$0x4280];
	v3 =	vadd.f32 v6, v3  }
0x21f: {  	v11 =	vld [tilespmem:s2+$0x4300];
	[tilespmem:s30+$0xC200] =	vst v4;
	v2 =	vadd.f32 v9, v2  }
0x220: {  	v4 =	vld [tilespmem:s2+$0x14200];
	[tilespmem:s30+$0xC280] =	vst v3  }
0x221: {  	v3 =	vld [tilespmem:s2+$0x14280];
	[tilespmem:s30+$0xC300] =	vst v2  }
0x222: {  	v2 =	vmul.f32 $6.400000000e+01, v58;
	v60 =	vld [tilespmem:s2+$0x14300]  }
0x223: {  	v61 =	vmul.f32 $6.400000000e+01, v10  }
0x224: {  	v62 =	vmul.f32 $6.400000000e+01, v59;
	v2 =	vadd.f32 v5, v2  }
0x225: {  	v63 =	vmul.f32 $6.400000000e+01, v11;
	v4 =	vadd.f32 v4, v61  }
0x226: {  	[tilespmem:s2+$0xC380] =	vst v2;
	v2 =	vadd.f32 v3, v62  }
0x227: {  	[tilespmem:s2+$0xC200] =	vst v4;
	v3 =	vadd.f32 v60, v63  }
0x228: {  	[tilespmem:s2+$0xC280] =	vst v2  }
0x229: {  	s4 =	sand.u32 $0xFC, s9;
	[tilespmem:s2+$0xC300] =	vst v3  }
0x22a: {  	[hbm4b:s7+s31] =	stream.strided.scatter [tilespmem:s26], [sflag:$0x4], $0x4000, s0, s31, $0x38;
	[tilespmem:$0x18200] =	vst v63  }
0x22b: {  	v2 =	vld.msk [tilespmem:s4+$0x80], $0xf;
	_ =	sdelay $0x4  }
0x22c: {  	v3 =	vshll.u32 v2, $0x5  }
0x22d: {  	v2 =	vand.u32 $0x7, v2;
	v3 =	vand.u32 $0xFFFFFF00, v3  }
0x22e: {  	v2 =	vor.u32 v2, v3  }
0x22f: {  	v2 =	vperm.xlane v2, v0;
	_ =	sdelay $0x1  }
0x230: {  	v2 =	vadd.s32 v1, v2;
	_ =	sdelay $0x3  }
0x231: {  	s7 =	simm.s32 $0x4200  }
0x232: {  	[tilespmem:s7], [sflag:$0x2] =	stream.indirect_vreg.gather [hbm4b:s1+s5], $0x80, v2, vm0, $0xb8;
	[tilespmem:$0x18200] =	vst v63  }
0x233: {  	s8 =	simm.s32 $0x4A00  }
0x234: {  	[tilespmem:s8], [sflag:$0x2] =	stream.indirect_vreg.gather [hbm4b:s13+s5], $0x80, v2, vm0, $0xb8;
	[tilespmem:$0x18200] =	vst v63  }
0x235: {  	s9 =	simm.s32 $0x5200  }
0x236: {  	[tilespmem:s9], [sflag:$0x2] =	stream.indirect_vreg.gather [hbm4b:s14+s5], $0x80, v2, vm0, $0xb8;
	[tilespmem:$0x18200] =	vst v63  }
0x237: {  	s25 =	simm.s32 $0x5A00  }
0x238: {  	[tilespmem:s25], [sflag:$0x2] =	stream.indirect_vreg.gather [hbm4b:s15+s5], $0x80, v2, vm0, $0xb8;
	[tilespmem:$0x18200] =	vst v63  }
0x239: {  	_ = 	snop  }
0x23a: {  	[tilespmem:s20], [sflag:$0x2] =	stream.indirect_vreg.gather [hbm4b:s16+s5], $0x80, v2, vm0, $0xb8;
	[tilespmem:$0x18200] =	vst v63  }
0x23b: {  	s11 =	sadd.s32 $0x1, s11  }
0x23c: {  	[tilespmem:s21], [sflag:$0x2] =	stream.indirect_vreg.gather [hbm4b:s17+s5], $0x80, v2, vm0, $0xb8;
	[tilespmem:$0x18200] =	vst v63  }
0x23d: {  	p0 =	sne.s32 s11, $0x10  }
0x23e: {  	[tilespmem:s22], [sflag:$0x2] =	stream.indirect_vreg.gather [hbm4b:s18+s5], $0x80, v2, vm0, $0xb8;
	[tilespmem:$0x18200] =	vst v63  }
.Ltmp8:
0x23f: {  	s28 =	smin.u32 s12, $0x1C;
	(pc) =	sbr.rel @p0 .LBB2_2-.Ltmp8, $4  }
0x240: {  	s3 =	rddreg [dreg:$0x14];
	s2 =	sshll.u32 s28, $0xB  }
0x241: {  	[tilespmem:s23], [sflag:$0x2] =	stream.indirect_vreg.gather [hbm4b:s19+s5], $0x80, v2, vm0, $0xb8;
	[tilespmem:$0x18200] =	vst v63  }
0x242: {  	s30 =	simm.s32 $0x14200;
	s2 =	sadd.s32 s2, s3  }
0x243: {  	[tilespmem:s30], [sflag:$0x6] =	stream.strided.gather [hbm4b:s2+s31], $0x4000, s0, s31, $0x38;
	[tilespmem:$0x18200] =	vst v63  }
0x244: {  	_ =	swait.ge [sflag:s24], $0x4000  }
0x245: {  	[sflag:s24] =	ssyncset.done $0x0  }
0x246: {  	[sflag:s24] =	ssyncadd.s32 $0xFFFFC000  }
0x247: {  	_ =	swait.ge [sflag:s29], $0x4000  }
0x248: {  	[sflag:s29] =	ssyncset.done $0x0  }
0x249: {  	[sflag:s29] =	ssyncadd.s32 $0xFFFFC000  }
0x24a: {  	_ =	swait.ge [sflag:s6], $0x4000  }
0x24b: {  	[sflag:s6] =	ssyncset.done $0x0  }
0x24c: {  	[sflag:s6] =	ssyncadd.s32 $0xFFFFC000  }
0x24d: {  	_ =	swait.ge [sflag:s10], $0x4000  }
0x24e: {  	[sflag:s10] =	ssyncset.done $0x0  }
0x24f: {  	s2 =	simm.s32 $0x5;
	[sflag:s10] =	ssyncadd.s32 $0xFFFFC000  }
0x250: {  	_ =	swait.ge [sflag:s2], $0x4000  }
0x251: {  	[sflag:s2] =	ssyncset.done $0x0  }
0x252: {  	s3 =	simm.s32 $0x6;
	[sflag:s2] =	ssyncadd.s32 $0xFFFFC000  }
0x253: {  	_ =	swait.ge [sflag:s3], $0x4000  }
0x254: {  	s4 =	rddreg [dreg:$0x15]  }
0x255: {  	s30 =	rddreg [dreg:$0x11];
	s4 =	sadd.s32 $0x1, s4  }
0x256: {  	p0 =	sne.s32 s4, s30  }
.Ltmp9:
0x257: {  	_ = 	snop;
	(pc) =	sbr.rel @p0 .LBB2_1-.Ltmp9, $3  }
0x258: {  	_ =	sdelay $0x1  }
0x259: {  	[sflag:s3] =	ssyncset.done $0x0  }
0x25a: {  	[sflag:s3] =	ssyncadd.s32 $0xFFFFC000  }
0x25b: {  	_ =	sfence.sel $0x180000  }
0x25c: {  	[bflag:$0x0] =	sbarrier.arrive $0xFFFF  }
0x25d: {  	_ =	strace $0x90000047  }
0x25e: {  	s0 =	stileid.u32;
	[bflag:$0x2] =	sbarrier.arrive $0xFFFF  }
0x25f: {  	p0 =	sne.s32 s0, $0x0;
	s0 =	rddreg [dreg:$0x4]  }
0x260: {  	s0 =	sadd.s32 @!p0 $0x100000, s0  }
0x261: {  	[sflag:s0] =	ssyncadd.tile.s32 @!p0 $0x1;
	_ =	shalt  }
.Lfunc_end2:
_tile_overlayer_lowered:
.L_overlay_start_2:
0x262: {  	(tag) =	ssettag $0x2  }
0x263: {  	s0 =	rddreg [dreg:$0x0];
	s2 =	stileid.u32  }
0x264: {  	s1 =	rddreg [dreg:$0x1];
	p0 =	sne.s32 s2, $0x0  }
0x265: {  	s3 =	rddreg [dreg:$0x2];
	[bflag:$0x3] =	sbarrier.arrive $0xFFFF;
	s2 =	simm.s32 @!p0 $0x1C07  }
0x266: {  	[timem:s3], [sflag:s2] =	dma.local @!p0 [hbm:s0], s1  }
0x267: {  	s0 =	simm.s32 @!p0 $0x7  }
0x268: {  	_ =	swait.ge @!p0 [sflag:s0], s1  }
0x269: {  	s1 =	ssub.s32 @!p0 $0x0, s1;
	[sflag:s0] =	ssyncset.done @!p0 $0x0  }
0x26a: {  	[sflag:s0] =	ssyncadd.s32 @!p0 s1  }
0x26b: {  	[bflag:$0x3] =	sbarrier.arrive $0xFFFF  }
0x26c: {  	_ =	shalt  }

</sc_bundles>
